<compile_context>
chip_gen: v7x
topology: tpu7x:2x2x1
jax: 0.10.2.dev20260603
libtpu: 0.0.44.dev20260713+nightly
codegen_flags: <defaults>
</compile_context>

<pallas_src>
import dataclasses
import functools

import jax
import jax.numpy as jnp
from jax import lax
from jax.experimental import pallas as pl
from jax.experimental.pallas import tpu as pltpu
from jax.experimental.pallas import tpu_sc as plsc

R = 128
C = 32768
L = 16
NSUB = 16
NW = 2 * NSUB
ROWS_PER_W = R // NW
GROUP = 8
GSIZE = GROUP * L
NGROUPS = C // GSIZE
IMAX = 2147483647

_mesh = plsc.VectorSubcoreMesh(core_axis_name="c", subcore_axis_name="s")

_cp = pltpu.CompilerParams()
if "needs_layout_passes" in getattr(pltpu.CompilerParams, "__dataclass_fields__", {}):
    _cp = dataclasses.replace(_cp, needs_layout_passes=False)


def _row_argmax(buf):
    iota = lax.iota(jnp.int32, L)

    def gbody(g, carry):
        best, bgrp = carry
        base = g * GSIZE
        vs = [buf[pl.ds(base + k * L, L)] for k in range(GROUP)]
        while len(vs) > 1:
            vs = [jnp.maximum(vs[i], vs[i + 1]) for i in range(0, len(vs), 2)]
        gm = vs[0]
        better = gm > best
        best = jnp.where(better, gm, best)
        bgrp = jnp.where(better, g, bgrp)
        return best, bgrp

    best, bgrp = lax.fori_loop(
        0, NGROUPS, gbody,
        (jnp.full((L,), -jnp.inf, jnp.float32), jnp.zeros((L,), jnp.int32)))

    m = jnp.max(best)
    gstar = jnp.min(jnp.where(best == m, bgrp, jnp.int32(IMAX)))
    base = gstar * GSIZE
    acc = jnp.full((L,), IMAX, jnp.int32)
    for k in range(GROUP):
        off = base + k * L
        v = buf[pl.ds(off, L)]
        acc = jnp.minimum(acc, jnp.where(v == m, iota + off, jnp.int32(IMAX)))
    return jnp.min(acc)


@functools.partial(
    pl.kernel,
    out_type=jax.ShapeDtypeStruct((R, C), jnp.float32),
    mesh=_mesh,
    scratch_types=[
        pltpu.VMEM((C,), jnp.float32),
        pltpu.VMEM((C,), jnp.float32),
        pltpu.VMEM((C,), jnp.float32),
        pltpu.SemaphoreType.DMA,
        pltpu.SemaphoreType.DMA,
        pltpu.SemaphoreType.DMA,
    ],
    compiler_params=_cp,
)
def _onehot_sc(x_hbm, o_hbm, buf0, buf1, ob, sem0, sem1, osem):
    wid = lax.axis_index("c") * NSUB + lax.axis_index("s")
    row0 = wid * ROWS_PER_W

    bufs = (buf0, buf1)
    sems = (sem0, sem1)
    in_cp = [None] * ROWS_PER_W
    in_cp[0] = pltpu.async_copy(x_hbm.at[row0], buf0, sem0)

    @pl.loop(0, C, step=GSIZE)
    def _(i):
        for k in range(GROUP):
            ob[pl.ds(i + k * L, L)] = jnp.zeros((L,), jnp.float32)

    iota = lax.iota(jnp.int32, L)
    prev_start = jnp.int32(0)
    out_cp = None
    for r in range(ROWS_PER_W):
        if r + 1 < ROWS_PER_W:
            in_cp[r + 1] = pltpu.async_copy(
                x_hbm.at[row0 + r + 1], bufs[(r + 1) % 2], sems[(r + 1) % 2])
        in_cp[r].wait()
        idx = _row_argmax(bufs[r % 2])
        start = (idx // L) * L
        pos = idx - start
        if out_cp is not None:
            out_cp.wait()
        ob[pl.ds(prev_start, L)] = jnp.zeros((L,), jnp.float32)
        ob[pl.ds(start, L)] = jnp.where(iota == pos, 1.0, 0.0).astype(jnp.float32)
        out_cp = pltpu.async_copy(ob, o_hbm.at[row0 + r], osem)
        prev_start = start
    out_cp.wait()


def kernel(x):
    return _onehot_sc(x)

# --- scband reference (transcript-rebuilt; emitter-appended) ---
"""Pipeline reference for scband-output-normalization-32598801777138 (READ-ONLY COPY).

The authoritative reference and input builder live on the scoring server;
editing this copy changes nothing except your own understanding.
"""

import jax, jax.numpy as jnp
import numpy as np


def setup_inputs(seed: int = 0) -> dict:
    key = jax.random.key(seed)
    x = jax.random.normal(key, (128, 32768), dtype=jnp.float32)
    return {"x": x}


def reference(x) -> jnp.ndarray:
    # indices = argmax(x, dim=1); one_hot(indices, num_classes=x.shape[1]).to(x.dtype)
    indices = jnp.argmax(x, axis=1)
    num_classes = x.shape[1]
    one_hot = (indices[:, None] == jnp.arange(num_classes, dtype=indices.dtype)[None, :]).astype(x.dtype)
    return one_hot

if __name__ == "__main__":
    import jax
    _d = setup_inputs()
    print(jax.jit(kernel)(*tuple(_d.values())))

</pallas_src>

<mosaic_0001>
#map = affine_map<(d0, d1) -> (0, 0)>
module attributes {stable_mosaic.version = 14 : i64} {
  func.func @_onehot_sc(%arg0: i32, %arg1: i32, %arg2: memref<128x32768xf32, #tpu.memory_space<hbm>>, %arg3: memref<128x32768xf32, #tpu.memory_space<hbm>>, %arg4: memref<32768xf32, #tpu.memory_space<vmem>>, %arg5: memref<32768xf32, #tpu.memory_space<vmem>>, %arg6: memref<32768xf32, #tpu.memory_space<vmem>>, %arg7: memref<!tpu.dma_semaphore, #tpu.memory_space<semaphore_mem>>, %arg8: memref<!tpu.dma_semaphore, #tpu.memory_space<semaphore_mem>>, %arg9: memref<!tpu.dma_semaphore, #tpu.memory_space<semaphore_mem>>) attributes {dimension_semantics = [#tpu.dimension_semantics<core_parallel>, #tpu.dimension_semantics<subcore_parallel>], iteration_bounds = array<i64: 2, 16>, scalar_prefetch = 0 : i64, scratch_operands = 6 : i64, tpu.core_type = #tpu.core_type<sc_vector_subcore>, window_params = [{transform_indices = #map}, {transform_indices = #map}]} {
    %mul3A = arith.constant 16 : i32
    %mul3A_0 = arith.muli %arg0, %mul3A : i32
    %add3A = arith.addi %mul3A_0, %arg1 : i32
    %mul3A_1 = arith.constant 4 : i32
    %mul3A_2 = arith.muli %add3A, %mul3A_1 : i32
    %dma_start3A = arith.constant 0 : i32
    %dma_start3A_3 = tpu.memref_slice %arg2[%mul3A_2, %dma_start3A] : memref<128x32768xf32, #tpu.memory_space<hbm>> -> memref<1x32768xf32, #tpu.memory_space<hbm>>
    %dma_start3A_4 = tpu.memref_squeeze %dma_start3A_3 : memref<1x32768xf32, #tpu.memory_space<hbm>> -> memref<32768xf32, #tpu.memory_space<hbm>>
    %dma_start3A_5 = arith.constant 0 : i32
    %dma_start3A_6 = tpu.memref_slice %arg2[%mul3A_2, %dma_start3A_5] : memref<128x32768xf32, #tpu.memory_space<hbm>> -> memref<1x32768xf32, #tpu.memory_space<hbm>>
    %dma_start3A_7 = tpu.memref_squeeze %dma_start3A_6 : memref<1x32768xf32, #tpu.memory_space<hbm>> -> memref<32768xf32, #tpu.memory_space<hbm>>
    tpu.enqueue_dma source(%dma_start3A_7 : memref<32768xf32, #tpu.memory_space<hbm>>) target(%arg4 : memref<32768xf32, #tpu.memory_space<vmem>>) target_semaphore(%arg7 : memref<!tpu.dma_semaphore, #tpu.memory_space<semaphore_mem>>)
    %scan3A = arith.constant 0 : i32
    %scan3A_8 = arith.constant 256 : i32
    %scan3A_9 = arith.addi %scan3A, %scan3A_8 : i32
    %scan3A_10 = arith.constant 1 : i32
    scf.for %scan3A_811 = %scan3A to %scan3A_9 step %scan3A_10  : i32 {
      %mul3A_812 = arith.constant 128 : i32
      %mul3A_813 = arith.muli %scan3A_811, %mul3A_812 : i32
      %add3A_814 = arith.constant 0 : i32
      %add3A_815 = arith.addi %add3A_814, %mul3A_813 : i32
      %broadcast_in_dim3A_816 = arith.constant 0.000000e+00 : f32
      %broadcast_in_dim3A_817 = vector.broadcast %broadcast_in_dim3A_816 : f32 to vector<16xf32>
      %add3A_818 = arith.constant 0 : i32
      %add3A_819 = arith.addi %add3A_815, %add3A_818 : i32
      %swap3A_820 = arith.index_cast %add3A_819 : i32 to index
      %swap3A_821 = tpu.vector_load %arg6[%swap3A_820] {strides = array<i32>} : memref<32768xf32, #tpu.memory_space<vmem>>, vector<16xf32>,
      tpu.vector_store %arg6[%swap3A_820], %broadcast_in_dim3A_817 {strides = array<i32>} : memref<32768xf32, #tpu.memory_space<vmem>>, vector<16xf32>,
      %broadcast_in_dim3A_822 = arith.constant 0.000000e+00 : f32
      %broadcast_in_dim3A_823 = vector.broadcast %broadcast_in_dim3A_822 : f32 to vector<16xf32>
      %add3A_824 = arith.constant 16 : i32
      %add3A_825 = arith.addi %add3A_815, %add3A_824 : i32
      %swap3A_826 = arith.index_cast %add3A_825 : i32 to index
      %swap3A_827 = tpu.vector_load %arg6[%swap3A_826] {strides = array<i32>} : memref<32768xf32, #tpu.memory_space<vmem>>, vector<16xf32>,
      tpu.vector_store %arg6[%swap3A_826], %broadcast_in_dim3A_823 {strides = array<i32>} : memref<32768xf32, #tpu.memory_space<vmem>>, vector<16xf32>,
      %broadcast_in_dim3A_828 = arith.constant 0.000000e+00 : f32
      %broadcast_in_dim3A_829 = vector.broadcast %broadcast_in_dim3A_828 : f32 to vector<16xf32>
      %add3A_830 = arith.constant 32 : i32
      %add3A_831 = arith.addi %add3A_815, %add3A_830 : i32
      %swap3A_832 = arith.index_cast %add3A_831 : i32 to index
      %swap3A_833 = tpu.vector_load %arg6[%swap3A_832] {strides = array<i32>} : memref<32768xf32, #tpu.memory_space<vmem>>, vector<16xf32>,
      tpu.vector_store %arg6[%swap3A_832], %broadcast_in_dim3A_829 {strides = array<i32>} : memref<32768xf32, #tpu.memory_space<vmem>>, vector<16xf32>,
      %broadcast_in_dim3A_834 = arith.constant 0.000000e+00 : f32
      %broadcast_in_dim3A_835 = vector.broadcast %broadcast_in_dim3A_834 : f32 to vector<16xf32>
      %add3A_836 = arith.constant 48 : i32
      %add3A_837 = arith.addi %add3A_815, %add3A_836 : i32
      %swap3A_838 = arith.index_cast %add3A_837 : i32 to index
      %swap3A_839 = tpu.vector_load %arg6[%swap3A_838] {strides = array<i32>} : memref<32768xf32, #tpu.memory_space<vmem>>, vector<16xf32>,
      tpu.vector_store %arg6[%swap3A_838], %broadcast_in_dim3A_835 {strides = array<i32>} : memref<32768xf32, #tpu.memory_space<vmem>>, vector<16xf32>,
      %broadcast_in_dim3A_840 = arith.constant 0.000000e+00 : f32
      %broadcast_in_dim3A_841 = vector.broadcast %broadcast_in_dim3A_840 : f32 to vector<16xf32>
      %add3A_842 = arith.constant 64 : i32
      %add3A_843 = arith.addi %add3A_815, %add3A_842 : i32
      %swap3A_844 = arith.index_cast %add3A_843 : i32 to index
      %swap3A_845 = tpu.vector_load %arg6[%swap3A_844] {strides = array<i32>} : memref<32768xf32, #tpu.memory_space<vmem>>, vector<16xf32>,
      tpu.vector_store %arg6[%swap3A_844], %broadcast_in_dim3A_841 {strides = array<i32>} : memref<32768xf32, #tpu.memory_space<vmem>>, vector<16xf32>,
      %broadcast_in_dim3A_846 = arith.constant 0.000000e+00 : f32
      %broadcast_in_dim3A_847 = vector.broadcast %broadcast_in_dim3A_846 : f32 to vector<16xf32>
      %add3A_848 = arith.constant 80 : i32
      %add3A_849 = arith.addi %add3A_815, %add3A_848 : i32
      %swap3A_850 = arith.index_cast %add3A_849 : i32 to index
      %swap3A_851 = tpu.vector_load %arg6[%swap3A_850] {strides = array<i32>} : memref<32768xf32, #tpu.memory_space<vmem>>, vector<16xf32>,
      tpu.vector_store %arg6[%swap3A_850], %broadcast_in_dim3A_847 {strides = array<i32>} : memref<32768xf32, #tpu.memory_space<vmem>>, vector<16xf32>,
      %broadcast_in_dim3A_852 = arith.constant 0.000000e+00 : f32
      %broadcast_in_dim3A_853 = vector.broadcast %broadcast_in_dim3A_852 : f32 to vector<16xf32>
      %add3A_854 = arith.constant 96 : i32
      %add3A_855 = arith.addi %add3A_815, %add3A_854 : i32
      %swap3A_856 = arith.index_cast %add3A_855 : i32 to index
      %swap3A_857 = tpu.vector_load %arg6[%swap3A_856] {strides = array<i32>} : memref<32768xf32, #tpu.memory_space<vmem>>, vector<16xf32>,
      tpu.vector_store %arg6[%swap3A_856], %broadcast_in_dim3A_853 {strides = array<i32>} : memref<32768xf32, #tpu.memory_space<vmem>>, vector<16xf32>,
      %broadcast_in_dim3A_858 = arith.constant 0.000000e+00 : f32
      %broadcast_in_dim3A_859 = vector.broadcast %broadcast_in_dim3A_858 : f32 to vector<16xf32>
      %add3A_860 = arith.constant 112 : i32
      %add3A_861 = arith.addi %add3A_815, %add3A_860 : i32
      %swap3A_862 = arith.index_cast %add3A_861 : i32 to index
      %swap3A_863 = tpu.vector_load %arg6[%swap3A_862] {strides = array<i32>} : memref<32768xf32, #tpu.memory_space<vmem>>, vector<16xf32>,
      tpu.vector_store %arg6[%swap3A_862], %broadcast_in_dim3A_859 {strides = array<i32>} : memref<32768xf32, #tpu.memory_space<vmem>>, vector<16xf32>,
    }
    %scan3A_11 = arith.constant 256 : i32
    %iota3A = tpu.iota {dimensions = array<i32: 0>} : vector<16xi32>
    %add3A_12 = arith.constant 0 : i32
    %add3A_13 = arith.addi %mul3A_2, %add3A_12 : i32
    %add3A_14 = arith.constant 1 : i32
    %add3A_15 = arith.addi %add3A_13, %add3A_14 : i32
    %dma_start3A_16 = arith.constant 0 : i32
    %dma_start3A_17 = tpu.memref_slice %arg2[%add3A_15, %dma_start3A_16] : memref<128x32768xf32, #tpu.memory_space<hbm>> -> memref<1x32768xf32, #tpu.memory_space<hbm>>
    %dma_start3A_18 = tpu.memref_squeeze %dma_start3A_17 : memref<1x32768xf32, #tpu.memory_space<hbm>> -> memref<32768xf32, #tpu.memory_space<hbm>>
    %dma_start3A_19 = arith.constant 0 : i32
    %dma_start3A_20 = tpu.memref_slice %arg2[%add3A_15, %dma_start3A_19] : memref<128x32768xf32, #tpu.memory_space<hbm>> -> memref<1x32768xf32, #tpu.memory_space<hbm>>
    %dma_start3A_21 = tpu.memref_squeeze %dma_start3A_20 : memref<1x32768xf32, #tpu.memory_space<hbm>> -> memref<32768xf32, #tpu.memory_space<hbm>>
    tpu.enqueue_dma source(%dma_start3A_21 : memref<32768xf32, #tpu.memory_space<hbm>>) target(%arg5 : memref<32768xf32, #tpu.memory_space<vmem>>) target_semaphore(%arg8 : memref<!tpu.dma_semaphore, #tpu.memory_space<semaphore_mem>>)
    %dma_wait3A = arith.constant 0 : i32
    %dma_wait3A_22 = tpu.memref_slice %arg2[%mul3A_2, %dma_wait3A] : memref<128x32768xf32, #tpu.memory_space<hbm>> -> memref<1x32768xf32, #tpu.memory_space<hbm>>
    %dma_wait3A_23 = tpu.memref_squeeze %dma_wait3A_22 : memref<1x32768xf32, #tpu.memory_space<hbm>> -> memref<32768xf32, #tpu.memory_space<hbm>>
    %dma_wait3A_24 = arith.constant 0 : i32
    %dma_wait3A_25 = tpu.memref_slice %arg2[%mul3A_2, %dma_wait3A_24] : memref<128x32768xf32, #tpu.memory_space<hbm>> -> memref<1x32768xf32, #tpu.memory_space<hbm>>
    %dma_wait3A_26 = tpu.memref_squeeze %dma_wait3A_25 : memref<1x32768xf32, #tpu.memory_space<hbm>> -> memref<32768xf32, #tpu.memory_space<hbm>>
    tpu.wait_dma2 semaphore(%arg7 : memref<!tpu.dma_semaphore, #tpu.memory_space<semaphore_mem>>) src(%dma_wait3A_26 : memref<32768xf32, #tpu.memory_space<hbm>>) dst(%arg4 : memref<32768xf32, #tpu.memory_space<vmem>>)
    %iota3A_27 = tpu.iota {dimensions = array<i32: 0>} : vector<16xi32>
    %broadcast_in_dim3A = arith.constant 0xFF800000 : f32
    %broadcast_in_dim3A_28 = vector.broadcast %broadcast_in_dim3A : f32 to vector<16xf32>
    %broadcast_in_dim3A_29 = arith.constant 0 : i32
    %broadcast_in_dim3A_30 = vector.broadcast %broadcast_in_dim3A_29 : i32 to vector<16xi32>
    %scan3A_31 = arith.constant 0 : i32
    %scan3A_32 = arith.constant 256 : i32
    %scan3A_33 = arith.addi %scan3A_31, %scan3A_32 : i32
    %scan3A_34 = arith.constant 1 : i32
    %scan3A_35:2 = scf.for %scan3A_811 = %scan3A_31 to %scan3A_33 step %scan3A_34 iter_args(%scan3A_812 = %broadcast_in_dim3A_28, %scan3A_813 = %broadcast_in_dim3A_30) -> (vector<16xf32>, vector<16xi32>)  : i32 {
      %mul3A_814 = arith.constant 128 : i32
      %mul3A_815 = arith.muli %scan3A_811, %mul3A_814 : i32
      %add3A_816 = arith.constant 0 : i32
      %add3A_817 = arith.addi %mul3A_815, %add3A_816 : i32
      %get3A_818 = arith.index_cast %add3A_817 : i32 to index
      %get3A_819 = tpu.vector_load %arg4[%get3A_818] {strides = array<i32>} : memref<32768xf32, #tpu.memory_space<vmem>>, vector<16xf32>,
      %add3A_820 = arith.constant 16 : i32
      %add3A_821 = arith.addi %mul3A_815, %add3A_820 : i32
      %get3A_822 = arith.index_cast %add3A_821 : i32 to index
      %get3A_823 = tpu.vector_load %arg4[%get3A_822] {strides = array<i32>} : memref<32768xf32, #tpu.memory_space<vmem>>, vector<16xf32>,
      %add3A_824 = arith.constant 32 : i32
      %add3A_825 = arith.addi %mul3A_815, %add3A_824 : i32
      %get3A_826 = arith.index_cast %add3A_825 : i32 to index
      %get3A_827 = tpu.vector_load %arg4[%get3A_826] {strides = array<i32>} : memref<32768xf32, #tpu.memory_space<vmem>>, vector<16xf32>,
      %add3A_828 = arith.constant 48 : i32
      %add3A_829 = arith.addi %mul3A_815, %add3A_828 : i32
      %get3A_830 = arith.index_cast %add3A_829 : i32 to index
      %get3A_831 = tpu.vector_load %arg4[%get3A_830] {strides = array<i32>} : memref<32768xf32, #tpu.memory_space<vmem>>, vector<16xf32>,
      %add3A_832 = arith.constant 64 : i32
      %add3A_833 = arith.addi %mul3A_815, %add3A_832 : i32
      %get3A_834 = arith.index_cast %add3A_833 : i32 to index
      %get3A_835 = tpu.vector_load %arg4[%get3A_834] {strides = array<i32>} : memref<32768xf32, #tpu.memory_space<vmem>>, vector<16xf32>,
      %add3A_836 = arith.constant 80 : i32
      %add3A_837 = arith.addi %mul3A_815, %add3A_836 : i32
      %get3A_838 = arith.index_cast %add3A_837 : i32 to index
      %get3A_839 = tpu.vector_load %arg4[%get3A_838] {strides = array<i32>} : memref<32768xf32, #tpu.memory_space<vmem>>, vector<16xf32>,
      %add3A_840 = arith.constant 96 : i32
      %add3A_841 = arith.addi %mul3A_815, %add3A_840 : i32
      %get3A_842 = arith.index_cast %add3A_841 : i32 to index
      %get3A_843 = tpu.vector_load %arg4[%get3A_842] {strides = array<i32>} : memref<32768xf32, #tpu.memory_space<vmem>>, vector<16xf32>,
      %add3A_844 = arith.constant 112 : i32
      %add3A_845 = arith.addi %mul3A_815, %add3A_844 : i32
      %get3A_846 = arith.index_cast %add3A_845 : i32 to index
      %get3A_847 = tpu.vector_load %arg4[%get3A_846] {strides = array<i32>} : memref<32768xf32, #tpu.memory_space<vmem>>, vector<16xf32>,
      %max3A = arith.maximumf %get3A_819, %get3A_823 : vector<16xf32>
      %max3A_848 = arith.maximumf %get3A_827, %get3A_831 : vector<16xf32>
      %max3A_849 = arith.maximumf %get3A_835, %get3A_839 : vector<16xf32>
      %max3A_850 = arith.maximumf %get3A_843, %get3A_847 : vector<16xf32>
      %max3A_851 = arith.maximumf %max3A, %max3A_848 : vector<16xf32>
      %max3A_852 = arith.maximumf %max3A_849, %max3A_850 : vector<16xf32>
      %max3A_853 = arith.maximumf %max3A_851, %max3A_852 : vector<16xf32>
      %gt3A = arith.cmpf ogt, %max3A_853, %scan3A_812 : vector<16xf32>
      %select_n3A_854 = arith.select %gt3A, %max3A_853, %scan3A_812 : vector<16xi1>, vector<16xf32>
      %broadcast_in_dim3A_855 = vector.broadcast %scan3A_811 : i32 to vector<16xi32>
      %select_n3A_856 = arith.select %gt3A, %broadcast_in_dim3A_855, %scan3A_813 : vector<16xi1>, vector<16xi32>
      scf.yield %select_n3A_854, %select_n3A_856 : vector<16xf32>, vector<16xi32>
    }
    %scan3A_36 = arith.constant 256 : i32
    %reduce_max3A = arith.constant true
    %reduce_max3A_37 = vector.broadcast %reduce_max3A : i1 to vector<16xi1>
    %reduce_max3A_38 = tpu.scan <max>, %scan3A_35#0 masked %reduce_max3A_37 : vector<16xf32>, vector<16xi1> -> vector<16xf32>
    %reduce_max3A_39 = vector.extract %reduce_max3A_38[15] : f32 from vector<16xf32>
    %eq3A = vector.broadcast %reduce_max3A_39 : f32 to vector<16xf32>
    %eq3A_40 = arith.cmpf oeq, %scan3A_35#0, %eq3A : vector<16xf32>
    %jit3A = arith.constant 2147483647 : i32
    %broadcast_in_dim3A_41 = vector.broadcast %jit3A : i32 to vector<16xi32>
    %select_n3A = arith.select %eq3A_40, %scan3A_35#1, %broadcast_in_dim3A_41 : vector<16xi1>, vector<16xi32>
    %reduce_min3A = arith.constant true
    %reduce_min3A_42 = vector.broadcast %reduce_min3A : i1 to vector<16xi1>
    %reduce_min3A_43 = arith.constant -2147483648 : i32
    %reduce_min3A_44 = vector.broadcast %reduce_min3A_43 : i32 to vector<16xi32>
    %reduce_min3A_45 = arith.xori %select_n3A, %reduce_min3A_44 : vector<16xi32>
    %reduce_min3A_46 = tpu.scan <min>, %reduce_min3A_45 masked %reduce_min3A_42 : vector<16xi32>, vector<16xi1> -> vector<16xi32>
    %reduce_min3A_47 = arith.xori %reduce_min3A_46, %reduce_min3A_44 : vector<16xi32>
    %reduce_min3A_48 = vector.extract %reduce_min3A_47[15] : i32 from vector<16xi32>
    %mul3A_49 = arith.constant 128 : i32
    %mul3A_50 = arith.muli %reduce_min3A_48, %mul3A_49 : i32
    %broadcast_in_dim3A_51 = arith.constant 2147483647 : i32
    %broadcast_in_dim3A_52 = vector.broadcast %broadcast_in_dim3A_51 : i32 to vector<16xi32>
    %add3A_53 = arith.constant 0 : i32
    %add3A_54 = arith.addi %mul3A_50, %add3A_53 : i32
    %get3A = arith.index_cast %add3A_54 : i32 to index
    %get3A_55 = tpu.vector_load %arg4[%get3A] {strides = array<i32>} : memref<32768xf32, #tpu.memory_space<vmem>>, vector<16xf32>,
    %eq3A_56 = vector.broadcast %reduce_max3A_39 : f32 to vector<16xf32>
    %eq3A_57 = arith.cmpf oeq, %get3A_55, %eq3A_56 : vector<16xf32>
    %add3A_58 = vector.broadcast %add3A_54 : i32 to vector<16xi32>
    %add3A_59 = arith.addi %iota3A_27, %add3A_58 : vector<16xi32>
    %jit3A_60 = arith.constant 2147483647 : i32
    %broadcast_in_dim3A_61 = vector.broadcast %jit3A_60 : i32 to vector<16xi32>
    %select_n3A_62 = arith.select %eq3A_57, %add3A_59, %broadcast_in_dim3A_61 : vector<16xi1>, vector<16xi32>
    %min3A = arith.minsi %broadcast_in_dim3A_52, %select_n3A_62 : vector<16xi32>
    %add3A_63 = arith.constant 16 : i32
    %add3A_64 = arith.addi %mul3A_50, %add3A_63 : i32
    %get3A_65 = arith.index_cast %add3A_64 : i32 to index
    %get3A_66 = tpu.vector_load %arg4[%get3A_65] {strides = array<i32>} : memref<32768xf32, #tpu.memory_space<vmem>>, vector<16xf32>,
    %eq3A_67 = vector.broadcast %reduce_max3A_39 : f32 to vector<16xf32>
    %eq3A_68 = arith.cmpf oeq, %get3A_66, %eq3A_67 : vector<16xf32>
    %add3A_69 = vector.broadcast %add3A_64 : i32 to vector<16xi32>
    %add3A_70 = arith.addi %iota3A_27, %add3A_69 : vector<16xi32>
    %jit3A_71 = arith.constant 2147483647 : i32
    %broadcast_in_dim3A_72 = vector.broadcast %jit3A_71 : i32 to vector<16xi32>
    %select_n3A_73 = arith.select %eq3A_68, %add3A_70, %broadcast_in_dim3A_72 : vector<16xi1>, vector<16xi32>
    %min3A_74 = arith.minsi %min3A, %select_n3A_73 : vector<16xi32>
    %add3A_75 = arith.constant 32 : i32
    %add3A_76 = arith.addi %mul3A_50, %add3A_75 : i32
    %get3A_77 = arith.index_cast %add3A_76 : i32 to index
    %get3A_78 = tpu.vector_load %arg4[%get3A_77] {strides = array<i32>} : memref<32768xf32, #tpu.memory_space<vmem>>, vector<16xf32>,
    %eq3A_79 = vector.broadcast %reduce_max3A_39 : f32 to vector<16xf32>
    %eq3A_80 = arith.cmpf oeq, %get3A_78, %eq3A_79 : vector<16xf32>
    %add3A_81 = vector.broadcast %add3A_76 : i32 to vector<16xi32>
    %add3A_82 = arith.addi %iota3A_27, %add3A_81 : vector<16xi32>
    %jit3A_83 = arith.constant 2147483647 : i32
    %broadcast_in_dim3A_84 = vector.broadcast %jit3A_83 : i32 to vector<16xi32>
    %select_n3A_85 = arith.select %eq3A_80, %add3A_82, %broadcast_in_dim3A_84 : vector<16xi1>, vector<16xi32>
    %min3A_86 = arith.minsi %min3A_74, %select_n3A_85 : vector<16xi32>
    %add3A_87 = arith.constant 48 : i32
    %add3A_88 = arith.addi %mul3A_50, %add3A_87 : i32
    %get3A_89 = arith.index_cast %add3A_88 : i32 to index
    %get3A_90 = tpu.vector_load %arg4[%get3A_89] {strides = array<i32>} : memref<32768xf32, #tpu.memory_space<vmem>>, vector<16xf32>,
    %eq3A_91 = vector.broadcast %reduce_max3A_39 : f32 to vector<16xf32>
    %eq3A_92 = arith.cmpf oeq, %get3A_90, %eq3A_91 : vector<16xf32>
    %add3A_93 = vector.broadcast %add3A_88 : i32 to vector<16xi32>
    %add3A_94 = arith.addi %iota3A_27, %add3A_93 : vector<16xi32>
    %jit3A_95 = arith.constant 2147483647 : i32
    %broadcast_in_dim3A_96 = vector.broadcast %jit3A_95 : i32 to vector<16xi32>
    %select_n3A_97 = arith.select %eq3A_92, %add3A_94, %broadcast_in_dim3A_96 : vector<16xi1>, vector<16xi32>
    %min3A_98 = arith.minsi %min3A_86, %select_n3A_97 : vector<16xi32>
    %add3A_99 = arith.constant 64 : i32
    %add3A_100 = arith.addi %mul3A_50, %add3A_99 : i32
    %get3A_101 = arith.index_cast %add3A_100 : i32 to index
    %get3A_102 = tpu.vector_load %arg4[%get3A_101] {strides = array<i32>} : memref<32768xf32, #tpu.memory_space<vmem>>, vector<16xf32>,
    %eq3A_103 = vector.broadcast %reduce_max3A_39 : f32 to vector<16xf32>
    %eq3A_104 = arith.cmpf oeq, %get3A_102, %eq3A_103 : vector<16xf32>
    %add3A_105 = vector.broadcast %add3A_100 : i32 to vector<16xi32>
    %add3A_106 = arith.addi %iota3A_27, %add3A_105 : vector<16xi32>
    %jit3A_107 = arith.constant 2147483647 : i32
    %broadcast_in_dim3A_108 = vector.broadcast %jit3A_107 : i32 to vector<16xi32>
    %select_n3A_109 = arith.select %eq3A_104, %add3A_106, %broadcast_in_dim3A_108 : vector<16xi1>, vector<16xi32>
    %min3A_110 = arith.minsi %min3A_98, %select_n3A_109 : vector<16xi32>
    %add3A_111 = arith.constant 80 : i32
    %add3A_112 = arith.addi %mul3A_50, %add3A_111 : i32
    %get3A_113 = arith.index_cast %add3A_112 : i32 to index
    %get3A_114 = tpu.vector_load %arg4[%get3A_113] {strides = array<i32>} : memref<32768xf32, #tpu.memory_space<vmem>>, vector<16xf32>,
    %eq3A_115 = vector.broadcast %reduce_max3A_39 : f32 to vector<16xf32>
    %eq3A_116 = arith.cmpf oeq, %get3A_114, %eq3A_115 : vector<16xf32>
    %add3A_117 = vector.broadcast %add3A_112 : i32 to vector<16xi32>
    %add3A_118 = arith.addi %iota3A_27, %add3A_117 : vector<16xi32>
    %jit3A_119 = arith.constant 2147483647 : i32
    %broadcast_in_dim3A_120 = vector.broadcast %jit3A_119 : i32 to vector<16xi32>
    %select_n3A_121 = arith.select %eq3A_116, %add3A_118, %broadcast_in_dim3A_120 : vector<16xi1>, vector<16xi32>
    %min3A_122 = arith.minsi %min3A_110, %select_n3A_121 : vector<16xi32>
    %add3A_123 = arith.constant 96 : i32
    %add3A_124 = arith.addi %mul3A_50, %add3A_123 : i32
    %get3A_125 = arith.index_cast %add3A_124 : i32 to index
    %get3A_126 = tpu.vector_load %arg4[%get3A_125] {strides = array<i32>} : memref<32768xf32, #tpu.memory_space<vmem>>, vector<16xf32>,
    %eq3A_127 = vector.broadcast %reduce_max3A_39 : f32 to vector<16xf32>
    %eq3A_128 = arith.cmpf oeq, %get3A_126, %eq3A_127 : vector<16xf32>
    %add3A_129 = vector.broadcast %add3A_124 : i32 to vector<16xi32>
    %add3A_130 = arith.addi %iota3A_27, %add3A_129 : vector<16xi32>
    %jit3A_131 = arith.constant 2147483647 : i32
    %broadcast_in_dim3A_132 = vector.broadcast %jit3A_131 : i32 to vector<16xi32>
    %select_n3A_133 = arith.select %eq3A_128, %add3A_130, %broadcast_in_dim3A_132 : vector<16xi1>, vector<16xi32>
    %min3A_134 = arith.minsi %min3A_122, %select_n3A_133 : vector<16xi32>
    %add3A_135 = arith.constant 112 : i32
    %add3A_136 = arith.addi %mul3A_50, %add3A_135 : i32
    %get3A_137 = arith.index_cast %add3A_136 : i32 to index
    %get3A_138 = tpu.vector_load %arg4[%get3A_137] {strides = array<i32>} : memref<32768xf32, #tpu.memory_space<vmem>>, vector<16xf32>,
    %eq3A_139 = vector.broadcast %reduce_max3A_39 : f32 to vector<16xf32>
    %eq3A_140 = arith.cmpf oeq, %get3A_138, %eq3A_139 : vector<16xf32>
    %add3A_141 = vector.broadcast %add3A_136 : i32 to vector<16xi32>
    %add3A_142 = arith.addi %iota3A_27, %add3A_141 : vector<16xi32>
    %jit3A_143 = arith.constant 2147483647 : i32
    %broadcast_in_dim3A_144 = vector.broadcast %jit3A_143 : i32 to vector<16xi32>
    %select_n3A_145 = arith.select %eq3A_140, %add3A_142, %broadcast_in_dim3A_144 : vector<16xi1>, vector<16xi32>
    %min3A_146 = arith.minsi %min3A_134, %select_n3A_145 : vector<16xi32>
    %reduce_min3A_147 = arith.constant true
    %reduce_min3A_148 = vector.broadcast %reduce_min3A_147 : i1 to vector<16xi1>
    %reduce_min3A_149 = arith.constant -2147483648 : i32
    %reduce_min3A_150 = vector.broadcast %reduce_min3A_149 : i32 to vector<16xi32>
    %reduce_min3A_151 = arith.xori %min3A_146, %reduce_min3A_150 : vector<16xi32>
    %reduce_min3A_152 = tpu.scan <min>, %reduce_min3A_151 masked %reduce_min3A_148 : vector<16xi32>, vector<16xi1> -> vector<16xi32>
    %reduce_min3A_153 = arith.xori %reduce_min3A_152, %reduce_min3A_150 : vector<16xi32>
    %reduce_min3A_154 = vector.extract %reduce_min3A_153[15] : i32 from vector<16xi32>
    %jit3A_155 = arith.constant 16 : i32
    %div3A = arith.divsi %reduce_min3A_154, %jit3A_155 : i32
    %sign3A = arith.constant 0 : i32
    %sign3A_156 = arith.cmpi sgt, %reduce_min3A_154, %sign3A : i32
    %sign3A_157 = arith.extui %sign3A_156 : i1 to i32
    %sign3A_158 = arith.constant 0 : i32
    %sign3A_159 = arith.cmpi slt, %reduce_min3A_154, %sign3A_158 : i32
    %sign3A_160 = arith.extui %sign3A_159 : i1 to i32
    %sign3A_161 = arith.subi %sign3A_157, %sign3A_160 : i32
    %sign3A_162 = arith.constant 0 : i32
    %sign3A_163 = arith.cmpi sgt, %jit3A_155, %sign3A_162 : i32
    %sign3A_164 = arith.extui %sign3A_163 : i1 to i32
    %sign3A_165 = arith.constant 0 : i32
    %sign3A_166 = arith.cmpi slt, %jit3A_155, %sign3A_165 : i32
    %sign3A_167 = arith.extui %sign3A_166 : i1 to i32
    %sign3A_168 = arith.subi %sign3A_164, %sign3A_167 : i32
    %ne3A = arith.cmpi ne, %sign3A_161, %sign3A_168 : i32
    %rem3A = arith.remsi %reduce_min3A_154, %jit3A_155 : i32
    %ne3A_169 = arith.constant 0 : i32
    %ne3A_170 = arith.cmpi ne, %rem3A, %ne3A_169 : i32
    %and3A = arith.andi %ne3A, %ne3A_170 : i1
    %sub3A = arith.constant 1 : i32
    %sub3A_171 = arith.subi %div3A, %sub3A : i32
    %select_n3A_172 = arith.select %and3A, %sub3A_171, %div3A : i32
    %mul3A_173 = arith.constant 16 : i32
    %mul3A_174 = arith.muli %select_n3A_172, %mul3A_173 : i32
    %sub3A_175 = arith.subi %reduce_min3A_154, %mul3A_174 : i32
    %broadcast_in_dim3A_176 = arith.constant 0.000000e+00 : f32
    %broadcast_in_dim3A_177 = vector.broadcast %broadcast_in_dim3A_176 : f32 to vector<16xf32>
    %swap3A = arith.constant 0 : i32
    %swap3A_178 = arith.index_cast %swap3A : i32 to index
    %swap3A_179 = tpu.vector_load %arg6[%swap3A_178] {strides = array<i32>} : memref<32768xf32, #tpu.memory_space<vmem>>, vector<16xf32>,
    tpu.vector_store %arg6[%swap3A_178], %broadcast_in_dim3A_177 {strides = array<i32>} : memref<32768xf32, #tpu.memory_space<vmem>>, vector<16xf32>,
    %eq3A_180 = vector.broadcast %sub3A_175 : i32 to vector<16xi32>
    %eq3A_181 = arith.cmpi eq, %iota3A, %eq3A_180 : vector<16xi32>
    %jit3A_182 = arith.constant 1.000000e+00 : f32
    %jit3A_183 = arith.constant 0.000000e+00 : f32
    %broadcast_in_dim3A_184 = vector.broadcast %jit3A_182 : f32 to vector<16xf32>
    %broadcast_in_dim3A_185 = vector.broadcast %jit3A_183 : f32 to vector<16xf32>
    %select_n3A_186 = arith.select %eq3A_181, %broadcast_in_dim3A_184, %broadcast_in_dim3A_185 : vector<16xi1>, vector<16xf32>
    %swap3A_187 = arith.index_cast %mul3A_174 : i32 to index
    %swap3A_188 = tpu.vector_load %arg6[%swap3A_187] {strides = array<i32>} : memref<32768xf32, #tpu.memory_space<vmem>>, vector<16xf32>,
    tpu.vector_store %arg6[%swap3A_187], %select_n3A_186 {strides = array<i32>} : memref<32768xf32, #tpu.memory_space<vmem>>, vector<16xf32>,
    %add3A_189 = arith.constant 0 : i32
    %add3A_190 = arith.addi %mul3A_2, %add3A_189 : i32
    %dma_start3A_191 = arith.constant 0 : i32
    %dma_start3A_192 = tpu.memref_slice %arg3[%add3A_190, %dma_start3A_191] : memref<128x32768xf32, #tpu.memory_space<hbm>> -> memref<1x32768xf32, #tpu.memory_space<hbm>>
    %dma_start3A_193 = tpu.memref_squeeze %dma_start3A_192 : memref<1x32768xf32, #tpu.memory_space<hbm>> -> memref<32768xf32, #tpu.memory_space<hbm>>
    %dma_start3A_194 = arith.constant 0 : i32
    %dma_start3A_195 = tpu.memref_slice %arg3[%add3A_190, %dma_start3A_194] : memref<128x32768xf32, #tpu.memory_space<hbm>> -> memref<1x32768xf32, #tpu.memory_space<hbm>>
    %dma_start3A_196 = tpu.memref_squeeze %dma_start3A_195 : memref<1x32768xf32, #tpu.memory_space<hbm>> -> memref<32768xf32, #tpu.memory_space<hbm>>
    tpu.enqueue_dma source(%arg6 : memref<32768xf32, #tpu.memory_space<vmem>>) target(%dma_start3A_196 : memref<32768xf32, #tpu.memory_space<hbm>>) target_semaphore(%arg9 : memref<!tpu.dma_semaphore, #tpu.memory_space<semaphore_mem>>)
    %add3A_197 = arith.constant 1 : i32
    %add3A_198 = arith.addi %mul3A_2, %add3A_197 : i32
    %add3A_199 = arith.constant 1 : i32
    %add3A_200 = arith.addi %add3A_198, %add3A_199 : i32
    %dma_start3A_201 = arith.constant 0 : i32
    %dma_start3A_202 = tpu.memref_slice %arg2[%add3A_200, %dma_start3A_201] : memref<128x32768xf32, #tpu.memory_space<hbm>> -> memref<1x32768xf32, #tpu.memory_space<hbm>>
    %dma_start3A_203 = tpu.memref_squeeze %dma_start3A_202 : memref<1x32768xf32, #tpu.memory_space<hbm>> -> memref<32768xf32, #tpu.memory_space<hbm>>
    %dma_start3A_204 = arith.constant 0 : i32
    %dma_start3A_205 = tpu.memref_slice %arg2[%add3A_200, %dma_start3A_204] : memref<128x32768xf32, #tpu.memory_space<hbm>> -> memref<1x32768xf32, #tpu.memory_space<hbm>>
    %dma_start3A_206 = tpu.memref_squeeze %dma_start3A_205 : memref<1x32768xf32, #tpu.memory_space<hbm>> -> memref<32768xf32, #tpu.memory_space<hbm>>
    tpu.enqueue_dma source(%dma_start3A_206 : memref<32768xf32, #tpu.memory_space<hbm>>) target(%arg4 : memref<32768xf32, #tpu.memory_space<vmem>>) target_semaphore(%arg7 : memref<!tpu.dma_semaphore, #tpu.memory_space<semaphore_mem>>)
    %dma_wait3A_207 = arith.constant 0 : i32
    %dma_wait3A_208 = tpu.memref_slice %arg2[%add3A_15, %dma_wait3A_207] : memref<128x32768xf32, #tpu.memory_space<hbm>> -> memref<1x32768xf32, #tpu.memory_space<hbm>>
    %dma_wait3A_209 = tpu.memref_squeeze %dma_wait3A_208 : memref<1x32768xf32, #tpu.memory_space<hbm>> -> memref<32768xf32, #tpu.memory_space<hbm>>
    %dma_wait3A_210 = arith.constant 0 : i32
    %dma_wait3A_211 = tpu.memref_slice %arg2[%add3A_15, %dma_wait3A_210] : memref<128x32768xf32, #tpu.memory_space<hbm>> -> memref<1x32768xf32, #tpu.memory_space<hbm>>
    %dma_wait3A_212 = tpu.memref_squeeze %dma_wait3A_211 : memref<1x32768xf32, #tpu.memory_space<hbm>> -> memref<32768xf32, #tpu.memory_space<hbm>>
    tpu.wait_dma2 semaphore(%arg8 : memref<!tpu.dma_semaphore, #tpu.memory_space<semaphore_mem>>) src(%dma_wait3A_212 : memref<32768xf32, #tpu.memory_space<hbm>>) dst(%arg5 : memref<32768xf32, #tpu.memory_space<vmem>>)
    %iota3A_213 = tpu.iota {dimensions = array<i32: 0>} : vector<16xi32>
    %broadcast_in_dim3A_214 = arith.constant 0xFF800000 : f32
    %broadcast_in_dim3A_215 = vector.broadcast %broadcast_in_dim3A_214 : f32 to vector<16xf32>
    %broadcast_in_dim3A_216 = arith.constant 0 : i32
    %broadcast_in_dim3A_217 = vector.broadcast %broadcast_in_dim3A_216 : i32 to vector<16xi32>
    %scan3A_218 = arith.constant 0 : i32
    %scan3A_219 = arith.constant 256 : i32
    %scan3A_220 = arith.addi %scan3A_218, %scan3A_219 : i32
    %scan3A_221 = arith.constant 1 : i32
    %scan3A_222:2 = scf.for %scan3A_811 = %scan3A_218 to %scan3A_220 step %scan3A_221 iter_args(%scan3A_812 = %broadcast_in_dim3A_215, %scan3A_813 = %broadcast_in_dim3A_217) -> (vector<16xf32>, vector<16xi32>)  : i32 {
      %mul3A_814 = arith.constant 128 : i32
      %mul3A_815 = arith.muli %scan3A_811, %mul3A_814 : i32
      %add3A_816 = arith.constant 0 : i32
      %add3A_817 = arith.addi %mul3A_815, %add3A_816 : i32
      %get3A_818 = arith.index_cast %add3A_817 : i32 to index
      %get3A_819 = tpu.vector_load %arg5[%get3A_818] {strides = array<i32>} : memref<32768xf32, #tpu.memory_space<vmem>>, vector<16xf32>,
      %add3A_820 = arith.constant 16 : i32
      %add3A_821 = arith.addi %mul3A_815, %add3A_820 : i32
      %get3A_822 = arith.index_cast %add3A_821 : i32 to index
      %get3A_823 = tpu.vector_load %arg5[%get3A_822] {strides = array<i32>} : memref<32768xf32, #tpu.memory_space<vmem>>, vector<16xf32>,
      %add3A_824 = arith.constant 32 : i32
      %add3A_825 = arith.addi %mul3A_815, %add3A_824 : i32
      %get3A_826 = arith.index_cast %add3A_825 : i32 to index
      %get3A_827 = tpu.vector_load %arg5[%get3A_826] {strides = array<i32>} : memref<32768xf32, #tpu.memory_space<vmem>>, vector<16xf32>,
      %add3A_828 = arith.constant 48 : i32
      %add3A_829 = arith.addi %mul3A_815, %add3A_828 : i32
      %get3A_830 = arith.index_cast %add3A_829 : i32 to index
      %get3A_831 = tpu.vector_load %arg5[%get3A_830] {strides = array<i32>} : memref<32768xf32, #tpu.memory_space<vmem>>, vector<16xf32>,
      %add3A_832 = arith.constant 64 : i32
      %add3A_833 = arith.addi %mul3A_815, %add3A_832 : i32
      %get3A_834 = arith.index_cast %add3A_833 : i32 to index
      %get3A_835 = tpu.vector_load %arg5[%get3A_834] {strides = array<i32>} : memref<32768xf32, #tpu.memory_space<vmem>>, vector<16xf32>,
      %add3A_836 = arith.constant 80 : i32
      %add3A_837 = arith.addi %mul3A_815, %add3A_836 : i32
      %get3A_838 = arith.index_cast %add3A_837 : i32 to index
      %get3A_839 = tpu.vector_load %arg5[%get3A_838] {strides = array<i32>} : memref<32768xf32, #tpu.memory_space<vmem>>, vector<16xf32>,
      %add3A_840 = arith.constant 96 : i32
      %add3A_841 = arith.addi %mul3A_815, %add3A_840 : i32
      %get3A_842 = arith.index_cast %add3A_841 : i32 to index
      %get3A_843 = tpu.vector_load %arg5[%get3A_842] {strides = array<i32>} : memref<32768xf32, #tpu.memory_space<vmem>>, vector<16xf32>,
      %add3A_844 = arith.constant 112 : i32
      %add3A_845 = arith.addi %mul3A_815, %add3A_844 : i32
      %get3A_846 = arith.index_cast %add3A_845 : i32 to index
      %get3A_847 = tpu.vector_load %arg5[%get3A_846] {strides = array<i32>} : memref<32768xf32, #tpu.memory_space<vmem>>, vector<16xf32>,
      %max3A = arith.maximumf %get3A_819, %get3A_823 : vector<16xf32>
      %max3A_848 = arith.maximumf %get3A_827, %get3A_831 : vector<16xf32>
      %max3A_849 = arith.maximumf %get3A_835, %get3A_839 : vector<16xf32>
      %max3A_850 = arith.maximumf %get3A_843, %get3A_847 : vector<16xf32>
      %max3A_851 = arith.maximumf %max3A, %max3A_848 : vector<16xf32>
      %max3A_852 = arith.maximumf %max3A_849, %max3A_850 : vector<16xf32>
      %max3A_853 = arith.maximumf %max3A_851, %max3A_852 : vector<16xf32>
      %gt3A = arith.cmpf ogt, %max3A_853, %scan3A_812 : vector<16xf32>
      %select_n3A_854 = arith.select %gt3A, %max3A_853, %scan3A_812 : vector<16xi1>, vector<16xf32>
      %broadcast_in_dim3A_855 = vector.broadcast %scan3A_811 : i32 to vector<16xi32>
      %select_n3A_856 = arith.select %gt3A, %broadcast_in_dim3A_855, %scan3A_813 : vector<16xi1>, vector<16xi32>
      scf.yield %select_n3A_854, %select_n3A_856 : vector<16xf32>, vector<16xi32>
    }
    %scan3A_223 = arith.constant 256 : i32
    %reduce_max3A_224 = arith.constant true
    %reduce_max3A_225 = vector.broadcast %reduce_max3A_224 : i1 to vector<16xi1>
    %reduce_max3A_226 = tpu.scan <max>, %scan3A_222#0 masked %reduce_max3A_225 : vector<16xf32>, vector<16xi1> -> vector<16xf32>
    %reduce_max3A_227 = vector.extract %reduce_max3A_226[15] : f32 from vector<16xf32>
    %eq3A_228 = vector.broadcast %reduce_max3A_227 : f32 to vector<16xf32>
    %eq3A_229 = arith.cmpf oeq, %scan3A_222#0, %eq3A_228 : vector<16xf32>
    %jit3A_230 = arith.constant 2147483647 : i32
    %broadcast_in_dim3A_231 = vector.broadcast %jit3A_230 : i32 to vector<16xi32>
    %select_n3A_232 = arith.select %eq3A_229, %scan3A_222#1, %broadcast_in_dim3A_231 : vector<16xi1>, vector<16xi32>
    %reduce_min3A_233 = arith.constant true
    %reduce_min3A_234 = vector.broadcast %reduce_min3A_233 : i1 to vector<16xi1>
    %reduce_min3A_235 = arith.constant -2147483648 : i32
    %reduce_min3A_236 = vector.broadcast %reduce_min3A_235 : i32 to vector<16xi32>
    %reduce_min3A_237 = arith.xori %select_n3A_232, %reduce_min3A_236 : vector<16xi32>
    %reduce_min3A_238 = tpu.scan <min>, %reduce_min3A_237 masked %reduce_min3A_234 : vector<16xi32>, vector<16xi1> -> vector<16xi32>
    %reduce_min3A_239 = arith.xori %reduce_min3A_238, %reduce_min3A_236 : vector<16xi32>
    %reduce_min3A_240 = vector.extract %reduce_min3A_239[15] : i32 from vector<16xi32>
    %mul3A_241 = arith.constant 128 : i32
    %mul3A_242 = arith.muli %reduce_min3A_240, %mul3A_241 : i32
    %broadcast_in_dim3A_243 = arith.constant 2147483647 : i32
    %broadcast_in_dim3A_244 = vector.broadcast %broadcast_in_dim3A_243 : i32 to vector<16xi32>
    %add3A_245 = arith.constant 0 : i32
    %add3A_246 = arith.addi %mul3A_242, %add3A_245 : i32
    %get3A_247 = arith.index_cast %add3A_246 : i32 to index
    %get3A_248 = tpu.vector_load %arg5[%get3A_247] {strides = array<i32>} : memref<32768xf32, #tpu.memory_space<vmem>>, vector<16xf32>,
    %eq3A_249 = vector.broadcast %reduce_max3A_227 : f32 to vector<16xf32>
    %eq3A_250 = arith.cmpf oeq, %get3A_248, %eq3A_249 : vector<16xf32>
    %add3A_251 = vector.broadcast %add3A_246 : i32 to vector<16xi32>
    %add3A_252 = arith.addi %iota3A_213, %add3A_251 : vector<16xi32>
    %jit3A_253 = arith.constant 2147483647 : i32
    %broadcast_in_dim3A_254 = vector.broadcast %jit3A_253 : i32 to vector<16xi32>
    %select_n3A_255 = arith.select %eq3A_250, %add3A_252, %broadcast_in_dim3A_254 : vector<16xi1>, vector<16xi32>
    %min3A_256 = arith.minsi %broadcast_in_dim3A_244, %select_n3A_255 : vector<16xi32>
    %add3A_257 = arith.constant 16 : i32
    %add3A_258 = arith.addi %mul3A_242, %add3A_257 : i32
    %get3A_259 = arith.index_cast %add3A_258 : i32 to index
    %get3A_260 = tpu.vector_load %arg5[%get3A_259] {strides = array<i32>} : memref<32768xf32, #tpu.memory_space<vmem>>, vector<16xf32>,
    %eq3A_261 = vector.broadcast %reduce_max3A_227 : f32 to vector<16xf32>
    %eq3A_262 = arith.cmpf oeq, %get3A_260, %eq3A_261 : vector<16xf32>
    %add3A_263 = vector.broadcast %add3A_258 : i32 to vector<16xi32>
    %add3A_264 = arith.addi %iota3A_213, %add3A_263 : vector<16xi32>
    %jit3A_265 = arith.constant 2147483647 : i32
    %broadcast_in_dim3A_266 = vector.broadcast %jit3A_265 : i32 to vector<16xi32>
    %select_n3A_267 = arith.select %eq3A_262, %add3A_264, %broadcast_in_dim3A_266 : vector<16xi1>, vector<16xi32>
    %min3A_268 = arith.minsi %min3A_256, %select_n3A_267 : vector<16xi32>
    %add3A_269 = arith.constant 32 : i32
    %add3A_270 = arith.addi %mul3A_242, %add3A_269 : i32
    %get3A_271 = arith.index_cast %add3A_270 : i32 to index
    %get3A_272 = tpu.vector_load %arg5[%get3A_271] {strides = array<i32>} : memref<32768xf32, #tpu.memory_space<vmem>>, vector<16xf32>,
    %eq3A_273 = vector.broadcast %reduce_max3A_227 : f32 to vector<16xf32>
    %eq3A_274 = arith.cmpf oeq, %get3A_272, %eq3A_273 : vector<16xf32>
    %add3A_275 = vector.broadcast %add3A_270 : i32 to vector<16xi32>
    %add3A_276 = arith.addi %iota3A_213, %add3A_275 : vector<16xi32>
    %jit3A_277 = arith.constant 2147483647 : i32
    %broadcast_in_dim3A_278 = vector.broadcast %jit3A_277 : i32 to vector<16xi32>
    %select_n3A_279 = arith.select %eq3A_274, %add3A_276, %broadcast_in_dim3A_278 : vector<16xi1>, vector<16xi32>
    %min3A_280 = arith.minsi %min3A_268, %select_n3A_279 : vector<16xi32>
    %add3A_281 = arith.constant 48 : i32
    %add3A_282 = arith.addi %mul3A_242, %add3A_281 : i32
    %get3A_283 = arith.index_cast %add3A_282 : i32 to index
    %get3A_284 = tpu.vector_load %arg5[%get3A_283] {strides = array<i32>} : memref<32768xf32, #tpu.memory_space<vmem>>, vector<16xf32>,
    %eq3A_285 = vector.broadcast %reduce_max3A_227 : f32 to vector<16xf32>
    %eq3A_286 = arith.cmpf oeq, %get3A_284, %eq3A_285 : vector<16xf32>
    %add3A_287 = vector.broadcast %add3A_282 : i32 to vector<16xi32>
    %add3A_288 = arith.addi %iota3A_213, %add3A_287 : vector<16xi32>
    %jit3A_289 = arith.constant 2147483647 : i32
    %broadcast_in_dim3A_290 = vector.broadcast %jit3A_289 : i32 to vector<16xi32>
    %select_n3A_291 = arith.select %eq3A_286, %add3A_288, %broadcast_in_dim3A_290 : vector<16xi1>, vector<16xi32>
    %min3A_292 = arith.minsi %min3A_280, %select_n3A_291 : vector<16xi32>
    %add3A_293 = arith.constant 64 : i32
    %add3A_294 = arith.addi %mul3A_242, %add3A_293 : i32
    %get3A_295 = arith.index_cast %add3A_294 : i32 to index
    %get3A_296 = tpu.vector_load %arg5[%get3A_295] {strides = array<i32>} : memref<32768xf32, #tpu.memory_space<vmem>>, vector<16xf32>,
    %eq3A_297 = vector.broadcast %reduce_max3A_227 : f32 to vector<16xf32>
    %eq3A_298 = arith.cmpf oeq, %get3A_296, %eq3A_297 : vector<16xf32>
    %add3A_299 = vector.broadcast %add3A_294 : i32 to vector<16xi32>
    %add3A_300 = arith.addi %iota3A_213, %add3A_299 : vector<16xi32>
    %jit3A_301 = arith.constant 2147483647 : i32
    %broadcast_in_dim3A_302 = vector.broadcast %jit3A_301 : i32 to vector<16xi32>
    %select_n3A_303 = arith.select %eq3A_298, %add3A_300, %broadcast_in_dim3A_302 : vector<16xi1>, vector<16xi32>
    %min3A_304 = arith.minsi %min3A_292, %select_n3A_303 : vector<16xi32>
    %add3A_305 = arith.constant 80 : i32
    %add3A_306 = arith.addi %mul3A_242, %add3A_305 : i32
    %get3A_307 = arith.index_cast %add3A_306 : i32 to index
    %get3A_308 = tpu.vector_load %arg5[%get3A_307] {strides = array<i32>} : memref<32768xf32, #tpu.memory_space<vmem>>, vector<16xf32>,
    %eq3A_309 = vector.broadcast %reduce_max3A_227 : f32 to vector<16xf32>
    %eq3A_310 = arith.cmpf oeq, %get3A_308, %eq3A_309 : vector<16xf32>
    %add3A_311 = vector.broadcast %add3A_306 : i32 to vector<16xi32>
    %add3A_312 = arith.addi %iota3A_213, %add3A_311 : vector<16xi32>
    %jit3A_313 = arith.constant 2147483647 : i32
    %broadcast_in_dim3A_314 = vector.broadcast %jit3A_313 : i32 to vector<16xi32>
    %select_n3A_315 = arith.select %eq3A_310, %add3A_312, %broadcast_in_dim3A_314 : vector<16xi1>, vector<16xi32>
    %min3A_316 = arith.minsi %min3A_304, %select_n3A_315 : vector<16xi32>
    %add3A_317 = arith.constant 96 : i32
    %add3A_318 = arith.addi %mul3A_242, %add3A_317 : i32
    %get3A_319 = arith.index_cast %add3A_318 : i32 to index
    %get3A_320 = tpu.vector_load %arg5[%get3A_319] {strides = array<i32>} : memref<32768xf32, #tpu.memory_space<vmem>>, vector<16xf32>,
    %eq3A_321 = vector.broadcast %reduce_max3A_227 : f32 to vector<16xf32>
    %eq3A_322 = arith.cmpf oeq, %get3A_320, %eq3A_321 : vector<16xf32>
    %add3A_323 = vector.broadcast %add3A_318 : i32 to vector<16xi32>
    %add3A_324 = arith.addi %iota3A_213, %add3A_323 : vector<16xi32>
    %jit3A_325 = arith.constant 2147483647 : i32
    %broadcast_in_dim3A_326 = vector.broadcast %jit3A_325 : i32 to vector<16xi32>
    %select_n3A_327 = arith.select %eq3A_322, %add3A_324, %broadcast_in_dim3A_326 : vector<16xi1>, vector<16xi32>
    %min3A_328 = arith.minsi %min3A_316, %select_n3A_327 : vector<16xi32>
    %add3A_329 = arith.constant 112 : i32
    %add3A_330 = arith.addi %mul3A_242, %add3A_329 : i32
    %get3A_331 = arith.index_cast %add3A_330 : i32 to index
    %get3A_332 = tpu.vector_load %arg5[%get3A_331] {strides = array<i32>} : memref<32768xf32, #tpu.memory_space<vmem>>, vector<16xf32>,
    %eq3A_333 = vector.broadcast %reduce_max3A_227 : f32 to vector<16xf32>
    %eq3A_334 = arith.cmpf oeq, %get3A_332, %eq3A_333 : vector<16xf32>
    %add3A_335 = vector.broadcast %add3A_330 : i32 to vector<16xi32>
    %add3A_336 = arith.addi %iota3A_213, %add3A_335 : vector<16xi32>
    %jit3A_337 = arith.constant 2147483647 : i32
    %broadcast_in_dim3A_338 = vector.broadcast %jit3A_337 : i32 to vector<16xi32>
    %select_n3A_339 = arith.select %eq3A_334, %add3A_336, %broadcast_in_dim3A_338 : vector<16xi1>, vector<16xi32>
    %min3A_340 = arith.minsi %min3A_328, %select_n3A_339 : vector<16xi32>
    %reduce_min3A_341 = arith.constant true
    %reduce_min3A_342 = vector.broadcast %reduce_min3A_341 : i1 to vector<16xi1>
    %reduce_min3A_343 = arith.constant -2147483648 : i32
    %reduce_min3A_344 = vector.broadcast %reduce_min3A_343 : i32 to vector<16xi32>
    %reduce_min3A_345 = arith.xori %min3A_340, %reduce_min3A_344 : vector<16xi32>
    %reduce_min3A_346 = tpu.scan <min>, %reduce_min3A_345 masked %reduce_min3A_342 : vector<16xi32>, vector<16xi1> -> vector<16xi32>
    %reduce_min3A_347 = arith.xori %reduce_min3A_346, %reduce_min3A_344 : vector<16xi32>
    %reduce_min3A_348 = vector.extract %reduce_min3A_347[15] : i32 from vector<16xi32>
    %jit3A_349 = arith.constant 16 : i32
    %div3A_350 = arith.divsi %reduce_min3A_348, %jit3A_349 : i32
    %sign3A_351 = arith.constant 0 : i32
    %sign3A_352 = arith.cmpi sgt, %reduce_min3A_348, %sign3A_351 : i32
    %sign3A_353 = arith.extui %sign3A_352 : i1 to i32
    %sign3A_354 = arith.constant 0 : i32
    %sign3A_355 = arith.cmpi slt, %reduce_min3A_348, %sign3A_354 : i32
    %sign3A_356 = arith.extui %sign3A_355 : i1 to i32
    %sign3A_357 = arith.subi %sign3A_353, %sign3A_356 : i32
    %sign3A_358 = arith.constant 0 : i32
    %sign3A_359 = arith.cmpi sgt, %jit3A_349, %sign3A_358 : i32
    %sign3A_360 = arith.extui %sign3A_359 : i1 to i32
    %sign3A_361 = arith.constant 0 : i32
    %sign3A_362 = arith.cmpi slt, %jit3A_349, %sign3A_361 : i32
    %sign3A_363 = arith.extui %sign3A_362 : i1 to i32
    %sign3A_364 = arith.subi %sign3A_360, %sign3A_363 : i32
    %ne3A_365 = arith.cmpi ne, %sign3A_357, %sign3A_364 : i32
    %rem3A_366 = arith.remsi %reduce_min3A_348, %jit3A_349 : i32
    %ne3A_367 = arith.constant 0 : i32
    %ne3A_368 = arith.cmpi ne, %rem3A_366, %ne3A_367 : i32
    %and3A_369 = arith.andi %ne3A_365, %ne3A_368 : i1
    %sub3A_370 = arith.constant 1 : i32
    %sub3A_371 = arith.subi %div3A_350, %sub3A_370 : i32
    %select_n3A_372 = arith.select %and3A_369, %sub3A_371, %div3A_350 : i32
    %mul3A_373 = arith.constant 16 : i32
    %mul3A_374 = arith.muli %select_n3A_372, %mul3A_373 : i32
    %sub3A_375 = arith.subi %reduce_min3A_348, %mul3A_374 : i32
    %dma_wait3A_376 = arith.constant 0 : i32
    %dma_wait3A_377 = tpu.memref_slice %arg3[%add3A_190, %dma_wait3A_376] : memref<128x32768xf32, #tpu.memory_space<hbm>> -> memref<1x32768xf32, #tpu.memory_space<hbm>>
    %dma_wait3A_378 = tpu.memref_squeeze %dma_wait3A_377 : memref<1x32768xf32, #tpu.memory_space<hbm>> -> memref<32768xf32, #tpu.memory_space<hbm>>
    %dma_wait3A_379 = arith.constant 0 : i32
    %dma_wait3A_380 = tpu.memref_slice %arg3[%add3A_190, %dma_wait3A_379] : memref<128x32768xf32, #tpu.memory_space<hbm>> -> memref<1x32768xf32, #tpu.memory_space<hbm>>
    %dma_wait3A_381 = tpu.memref_squeeze %dma_wait3A_380 : memref<1x32768xf32, #tpu.memory_space<hbm>> -> memref<32768xf32, #tpu.memory_space<hbm>>
    tpu.wait_dma2 semaphore(%arg9 : memref<!tpu.dma_semaphore, #tpu.memory_space<semaphore_mem>>) src(%arg6 : memref<32768xf32, #tpu.memory_space<vmem>>) dst(%dma_wait3A_381 : memref<32768xf32, #tpu.memory_space<hbm>>)
    %broadcast_in_dim3A_382 = arith.constant 0.000000e+00 : f32
    %broadcast_in_dim3A_383 = vector.broadcast %broadcast_in_dim3A_382 : f32 to vector<16xf32>
    %swap3A_384 = arith.index_cast %mul3A_174 : i32 to index
    %swap3A_385 = tpu.vector_load %arg6[%swap3A_384] {strides = array<i32>} : memref<32768xf32, #tpu.memory_space<vmem>>, vector<16xf32>,
    tpu.vector_store %arg6[%swap3A_384], %broadcast_in_dim3A_383 {strides = array<i32>} : memref<32768xf32, #tpu.memory_space<vmem>>, vector<16xf32>,
    %eq3A_386 = vector.broadcast %sub3A_375 : i32 to vector<16xi32>
    %eq3A_387 = arith.cmpi eq, %iota3A, %eq3A_386 : vector<16xi32>
    %jit3A_388 = arith.constant 1.000000e+00 : f32
    %jit3A_389 = arith.constant 0.000000e+00 : f32
    %broadcast_in_dim3A_390 = vector.broadcast %jit3A_388 : f32 to vector<16xf32>
    %broadcast_in_dim3A_391 = vector.broadcast %jit3A_389 : f32 to vector<16xf32>
    %select_n3A_392 = arith.select %eq3A_387, %broadcast_in_dim3A_390, %broadcast_in_dim3A_391 : vector<16xi1>, vector<16xf32>
    %swap3A_393 = arith.index_cast %mul3A_374 : i32 to index
    %swap3A_394 = tpu.vector_load %arg6[%swap3A_393] {strides = array<i32>} : memref<32768xf32, #tpu.memory_space<vmem>>, vector<16xf32>,
    tpu.vector_store %arg6[%swap3A_393], %select_n3A_392 {strides = array<i32>} : memref<32768xf32, #tpu.memory_space<vmem>>, vector<16xf32>,
    %add3A_395 = arith.constant 1 : i32
    %add3A_396 = arith.addi %mul3A_2, %add3A_395 : i32
    %dma_start3A_397 = arith.constant 0 : i32
    %dma_start3A_398 = tpu.memref_slice %arg3[%add3A_396, %dma_start3A_397] : memref<128x32768xf32, #tpu.memory_space<hbm>> -> memref<1x32768xf32, #tpu.memory_space<hbm>>
    %dma_start3A_399 = tpu.memref_squeeze %dma_start3A_398 : memref<1x32768xf32, #tpu.memory_space<hbm>> -> memref<32768xf32, #tpu.memory_space<hbm>>
    %dma_start3A_400 = arith.constant 0 : i32
    %dma_start3A_401 = tpu.memref_slice %arg3[%add3A_396, %dma_start3A_400] : memref<128x32768xf32, #tpu.memory_space<hbm>> -> memref<1x32768xf32, #tpu.memory_space<hbm>>
    %dma_start3A_402 = tpu.memref_squeeze %dma_start3A_401 : memref<1x32768xf32, #tpu.memory_space<hbm>> -> memref<32768xf32, #tpu.memory_space<hbm>>
    tpu.enqueue_dma source(%arg6 : memref<32768xf32, #tpu.memory_space<vmem>>) target(%dma_start3A_402 : memref<32768xf32, #tpu.memory_space<hbm>>) target_semaphore(%arg9 : memref<!tpu.dma_semaphore, #tpu.memory_space<semaphore_mem>>)
    %add3A_403 = arith.constant 2 : i32
    %add3A_404 = arith.addi %mul3A_2, %add3A_403 : i32
    %add3A_405 = arith.constant 1 : i32
    %add3A_406 = arith.addi %add3A_404, %add3A_405 : i32
    %dma_start3A_407 = arith.constant 0 : i32
    %dma_start3A_408 = tpu.memref_slice %arg2[%add3A_406, %dma_start3A_407] : memref<128x32768xf32, #tpu.memory_space<hbm>> -> memref<1x32768xf32, #tpu.memory_space<hbm>>
    %dma_start3A_409 = tpu.memref_squeeze %dma_start3A_408 : memref<1x32768xf32, #tpu.memory_space<hbm>> -> memref<32768xf32, #tpu.memory_space<hbm>>
    %dma_start3A_410 = arith.constant 0 : i32
    %dma_start3A_411 = tpu.memref_slice %arg2[%add3A_406, %dma_start3A_410] : memref<128x32768xf32, #tpu.memory_space<hbm>> -> memref<1x32768xf32, #tpu.memory_space<hbm>>
    %dma_start3A_412 = tpu.memref_squeeze %dma_start3A_411 : memref<1x32768xf32, #tpu.memory_space<hbm>> -> memref<32768xf32, #tpu.memory_space<hbm>>
    tpu.enqueue_dma source(%dma_start3A_412 : memref<32768xf32, #tpu.memory_space<hbm>>) target(%arg5 : memref<32768xf32, #tpu.memory_space<vmem>>) target_semaphore(%arg8 : memref<!tpu.dma_semaphore, #tpu.memory_space<semaphore_mem>>)
    %dma_wait3A_413 = arith.constant 0 : i32
    %dma_wait3A_414 = tpu.memref_slice %arg2[%add3A_200, %dma_wait3A_413] : memref<128x32768xf32, #tpu.memory_space<hbm>> -> memref<1x32768xf32, #tpu.memory_space<hbm>>
    %dma_wait3A_415 = tpu.memref_squeeze %dma_wait3A_414 : memref<1x32768xf32, #tpu.memory_space<hbm>> -> memref<32768xf32, #tpu.memory_space<hbm>>
    %dma_wait3A_416 = arith.constant 0 : i32
    %dma_wait3A_417 = tpu.memref_slice %arg2[%add3A_200, %dma_wait3A_416] : memref<128x32768xf32, #tpu.memory_space<hbm>> -> memref<1x32768xf32, #tpu.memory_space<hbm>>
    %dma_wait3A_418 = tpu.memref_squeeze %dma_wait3A_417 : memref<1x32768xf32, #tpu.memory_space<hbm>> -> memref<32768xf32, #tpu.memory_space<hbm>>
    tpu.wait_dma2 semaphore(%arg7 : memref<!tpu.dma_semaphore, #tpu.memory_space<semaphore_mem>>) src(%dma_wait3A_418 : memref<32768xf32, #tpu.memory_space<hbm>>) dst(%arg4 : memref<32768xf32, #tpu.memory_space<vmem>>)
    %iota3A_419 = tpu.iota {dimensions = array<i32: 0>} : vector<16xi32>
    %broadcast_in_dim3A_420 = arith.constant 0xFF800000 : f32
    %broadcast_in_dim3A_421 = vector.broadcast %broadcast_in_dim3A_420 : f32 to vector<16xf32>
    %broadcast_in_dim3A_422 = arith.constant 0 : i32
    %broadcast_in_dim3A_423 = vector.broadcast %broadcast_in_dim3A_422 : i32 to vector<16xi32>
    %scan3A_424 = arith.constant 0 : i32
    %scan3A_425 = arith.constant 256 : i32
    %scan3A_426 = arith.addi %scan3A_424, %scan3A_425 : i32
    %scan3A_427 = arith.constant 1 : i32
    %scan3A_428:2 = scf.for %scan3A_811 = %scan3A_424 to %scan3A_426 step %scan3A_427 iter_args(%scan3A_812 = %broadcast_in_dim3A_421, %scan3A_813 = %broadcast_in_dim3A_423) -> (vector<16xf32>, vector<16xi32>)  : i32 {
      %mul3A_814 = arith.constant 128 : i32
      %mul3A_815 = arith.muli %scan3A_811, %mul3A_814 : i32
      %add3A_816 = arith.constant 0 : i32
      %add3A_817 = arith.addi %mul3A_815, %add3A_816 : i32
      %get3A_818 = arith.index_cast %add3A_817 : i32 to index
      %get3A_819 = tpu.vector_load %arg4[%get3A_818] {strides = array<i32>} : memref<32768xf32, #tpu.memory_space<vmem>>, vector<16xf32>,
      %add3A_820 = arith.constant 16 : i32
      %add3A_821 = arith.addi %mul3A_815, %add3A_820 : i32
      %get3A_822 = arith.index_cast %add3A_821 : i32 to index
      %get3A_823 = tpu.vector_load %arg4[%get3A_822] {strides = array<i32>} : memref<32768xf32, #tpu.memory_space<vmem>>, vector<16xf32>,
      %add3A_824 = arith.constant 32 : i32
      %add3A_825 = arith.addi %mul3A_815, %add3A_824 : i32
      %get3A_826 = arith.index_cast %add3A_825 : i32 to index
      %get3A_827 = tpu.vector_load %arg4[%get3A_826] {strides = array<i32>} : memref<32768xf32, #tpu.memory_space<vmem>>, vector<16xf32>,
      %add3A_828 = arith.constant 48 : i32
      %add3A_829 = arith.addi %mul3A_815, %add3A_828 : i32
      %get3A_830 = arith.index_cast %add3A_829 : i32 to index
      %get3A_831 = tpu.vector_load %arg4[%get3A_830] {strides = array<i32>} : memref<32768xf32, #tpu.memory_space<vmem>>, vector<16xf32>,
      %add3A_832 = arith.constant 64 : i32
      %add3A_833 = arith.addi %mul3A_815, %add3A_832 : i32
      %get3A_834 = arith.index_cast %add3A_833 : i32 to index
      %get3A_835 = tpu.vector_load %arg4[%get3A_834] {strides = array<i32>} : memref<32768xf32, #tpu.memory_space<vmem>>, vector<16xf32>,
      %add3A_836 = arith.constant 80 : i32
      %add3A_837 = arith.addi %mul3A_815, %add3A_836 : i32
      %get3A_838 = arith.index_cast %add3A_837 : i32 to index
      %get3A_839 = tpu.vector_load %arg4[%get3A_838] {strides = array<i32>} : memref<32768xf32, #tpu.memory_space<vmem>>, vector<16xf32>,
      %add3A_840 = arith.constant 96 : i32
      %add3A_841 = arith.addi %mul3A_815, %add3A_840 : i32
      %get3A_842 = arith.index_cast %add3A_841 : i32 to index
      %get3A_843 = tpu.vector_load %arg4[%get3A_842] {strides = array<i32>} : memref<32768xf32, #tpu.memory_space<vmem>>, vector<16xf32>,
      %add3A_844 = arith.constant 112 : i32
      %add3A_845 = arith.addi %mul3A_815, %add3A_844 : i32
      %get3A_846 = arith.index_cast %add3A_845 : i32 to index
      %get3A_847 = tpu.vector_load %arg4[%get3A_846] {strides = array<i32>} : memref<32768xf32, #tpu.memory_space<vmem>>, vector<16xf32>,
      %max3A = arith.maximumf %get3A_819, %get3A_823 : vector<16xf32>
      %max3A_848 = arith.maximumf %get3A_827, %get3A_831 : vector<16xf32>
      %max3A_849 = arith.maximumf %get3A_835, %get3A_839 : vector<16xf32>
      %max3A_850 = arith.maximumf %get3A_843, %get3A_847 : vector<16xf32>
      %max3A_851 = arith.maximumf %max3A, %max3A_848 : vector<16xf32>
      %max3A_852 = arith.maximumf %max3A_849, %max3A_850 : vector<16xf32>
      %max3A_853 = arith.maximumf %max3A_851, %max3A_852 : vector<16xf32>
      %gt3A = arith.cmpf ogt, %max3A_853, %scan3A_812 : vector<16xf32>
      %select_n3A_854 = arith.select %gt3A, %max3A_853, %scan3A_812 : vector<16xi1>, vector<16xf32>
      %broadcast_in_dim3A_855 = vector.broadcast %scan3A_811 : i32 to vector<16xi32>
      %select_n3A_856 = arith.select %gt3A, %broadcast_in_dim3A_855, %scan3A_813 : vector<16xi1>, vector<16xi32>
      scf.yield %select_n3A_854, %select_n3A_856 : vector<16xf32>, vector<16xi32>
    }
    %scan3A_429 = arith.constant 256 : i32
    %reduce_max3A_430 = arith.constant true
    %reduce_max3A_431 = vector.broadcast %reduce_max3A_430 : i1 to vector<16xi1>
    %reduce_max3A_432 = tpu.scan <max>, %scan3A_428#0 masked %reduce_max3A_431 : vector<16xf32>, vector<16xi1> -> vector<16xf32>
    %reduce_max3A_433 = vector.extract %reduce_max3A_432[15] : f32 from vector<16xf32>
    %eq3A_434 = vector.broadcast %reduce_max3A_433 : f32 to vector<16xf32>
    %eq3A_435 = arith.cmpf oeq, %scan3A_428#0, %eq3A_434 : vector<16xf32>
    %jit3A_436 = arith.constant 2147483647 : i32
    %broadcast_in_dim3A_437 = vector.broadcast %jit3A_436 : i32 to vector<16xi32>
    %select_n3A_438 = arith.select %eq3A_435, %scan3A_428#1, %broadcast_in_dim3A_437 : vector<16xi1>, vector<16xi32>
    %reduce_min3A_439 = arith.constant true
    %reduce_min3A_440 = vector.broadcast %reduce_min3A_439 : i1 to vector<16xi1>
    %reduce_min3A_441 = arith.constant -2147483648 : i32
    %reduce_min3A_442 = vector.broadcast %reduce_min3A_441 : i32 to vector<16xi32>
    %reduce_min3A_443 = arith.xori %select_n3A_438, %reduce_min3A_442 : vector<16xi32>
    %reduce_min3A_444 = tpu.scan <min>, %reduce_min3A_443 masked %reduce_min3A_440 : vector<16xi32>, vector<16xi1> -> vector<16xi32>
    %reduce_min3A_445 = arith.xori %reduce_min3A_444, %reduce_min3A_442 : vector<16xi32>
    %reduce_min3A_446 = vector.extract %reduce_min3A_445[15] : i32 from vector<16xi32>
    %mul3A_447 = arith.constant 128 : i32
    %mul3A_448 = arith.muli %reduce_min3A_446, %mul3A_447 : i32
    %broadcast_in_dim3A_449 = arith.constant 2147483647 : i32
    %broadcast_in_dim3A_450 = vector.broadcast %broadcast_in_dim3A_449 : i32 to vector<16xi32>
    %add3A_451 = arith.constant 0 : i32
    %add3A_452 = arith.addi %mul3A_448, %add3A_451 : i32
    %get3A_453 = arith.index_cast %add3A_452 : i32 to index
    %get3A_454 = tpu.vector_load %arg4[%get3A_453] {strides = array<i32>} : memref<32768xf32, #tpu.memory_space<vmem>>, vector<16xf32>,
    %eq3A_455 = vector.broadcast %reduce_max3A_433 : f32 to vector<16xf32>
    %eq3A_456 = arith.cmpf oeq, %get3A_454, %eq3A_455 : vector<16xf32>
    %add3A_457 = vector.broadcast %add3A_452 : i32 to vector<16xi32>
    %add3A_458 = arith.addi %iota3A_419, %add3A_457 : vector<16xi32>
    %jit3A_459 = arith.constant 2147483647 : i32
    %broadcast_in_dim3A_460 = vector.broadcast %jit3A_459 : i32 to vector<16xi32>
    %select_n3A_461 = arith.select %eq3A_456, %add3A_458, %broadcast_in_dim3A_460 : vector<16xi1>, vector<16xi32>
    %min3A_462 = arith.minsi %broadcast_in_dim3A_450, %select_n3A_461 : vector<16xi32>
    %add3A_463 = arith.constant 16 : i32
    %add3A_464 = arith.addi %mul3A_448, %add3A_463 : i32
    %get3A_465 = arith.index_cast %add3A_464 : i32 to index
    %get3A_466 = tpu.vector_load %arg4[%get3A_465] {strides = array<i32>} : memref<32768xf32, #tpu.memory_space<vmem>>, vector<16xf32>,
    %eq3A_467 = vector.broadcast %reduce_max3A_433 : f32 to vector<16xf32>
    %eq3A_468 = arith.cmpf oeq, %get3A_466, %eq3A_467 : vector<16xf32>
    %add3A_469 = vector.broadcast %add3A_464 : i32 to vector<16xi32>
    %add3A_470 = arith.addi %iota3A_419, %add3A_469 : vector<16xi32>
    %jit3A_471 = arith.constant 2147483647 : i32
    %broadcast_in_dim3A_472 = vector.broadcast %jit3A_471 : i32 to vector<16xi32>
    %select_n3A_473 = arith.select %eq3A_468, %add3A_470, %broadcast_in_dim3A_472 : vector<16xi1>, vector<16xi32>
    %min3A_474 = arith.minsi %min3A_462, %select_n3A_473 : vector<16xi32>
    %add3A_475 = arith.constant 32 : i32
    %add3A_476 = arith.addi %mul3A_448, %add3A_475 : i32
    %get3A_477 = arith.index_cast %add3A_476 : i32 to index
    %get3A_478 = tpu.vector_load %arg4[%get3A_477] {strides = array<i32>} : memref<32768xf32, #tpu.memory_space<vmem>>, vector<16xf32>,
    %eq3A_479 = vector.broadcast %reduce_max3A_433 : f32 to vector<16xf32>
    %eq3A_480 = arith.cmpf oeq, %get3A_478, %eq3A_479 : vector<16xf32>
    %add3A_481 = vector.broadcast %add3A_476 : i32 to vector<16xi32>
    %add3A_482 = arith.addi %iota3A_419, %add3A_481 : vector<16xi32>
    %jit3A_483 = arith.constant 2147483647 : i32
    %broadcast_in_dim3A_484 = vector.broadcast %jit3A_483 : i32 to vector<16xi32>
    %select_n3A_485 = arith.select %eq3A_480, %add3A_482, %broadcast_in_dim3A_484 : vector<16xi1>, vector<16xi32>
    %min3A_486 = arith.minsi %min3A_474, %select_n3A_485 : vector<16xi32>
    %add3A_487 = arith.constant 48 : i32
    %add3A_488 = arith.addi %mul3A_448, %add3A_487 : i32
    %get3A_489 = arith.index_cast %add3A_488 : i32 to index
    %get3A_490 = tpu.vector_load %arg4[%get3A_489] {strides = array<i32>} : memref<32768xf32, #tpu.memory_space<vmem>>, vector<16xf32>,
    %eq3A_491 = vector.broadcast %reduce_max3A_433 : f32 to vector<16xf32>
    %eq3A_492 = arith.cmpf oeq, %get3A_490, %eq3A_491 : vector<16xf32>
    %add3A_493 = vector.broadcast %add3A_488 : i32 to vector<16xi32>
    %add3A_494 = arith.addi %iota3A_419, %add3A_493 : vector<16xi32>
    %jit3A_495 = arith.constant 2147483647 : i32
    %broadcast_in_dim3A_496 = vector.broadcast %jit3A_495 : i32 to vector<16xi32>
    %select_n3A_497 = arith.select %eq3A_492, %add3A_494, %broadcast_in_dim3A_496 : vector<16xi1>, vector<16xi32>
    %min3A_498 = arith.minsi %min3A_486, %select_n3A_497 : vector<16xi32>
    %add3A_499 = arith.constant 64 : i32
    %add3A_500 = arith.addi %mul3A_448, %add3A_499 : i32
    %get3A_501 = arith.index_cast %add3A_500 : i32 to index
    %get3A_502 = tpu.vector_load %arg4[%get3A_501] {strides = array<i32>} : memref<32768xf32, #tpu.memory_space<vmem>>, vector<16xf32>,
    %eq3A_503 = vector.broadcast %reduce_max3A_433 : f32 to vector<16xf32>
    %eq3A_504 = arith.cmpf oeq, %get3A_502, %eq3A_503 : vector<16xf32>
    %add3A_505 = vector.broadcast %add3A_500 : i32 to vector<16xi32>
    %add3A_506 = arith.addi %iota3A_419, %add3A_505 : vector<16xi32>
    %jit3A_507 = arith.constant 2147483647 : i32
    %broadcast_in_dim3A_508 = vector.broadcast %jit3A_507 : i32 to vector<16xi32>
    %select_n3A_509 = arith.select %eq3A_504, %add3A_506, %broadcast_in_dim3A_508 : vector<16xi1>, vector<16xi32>
    %min3A_510 = arith.minsi %min3A_498, %select_n3A_509 : vector<16xi32>
    %add3A_511 = arith.constant 80 : i32
    %add3A_512 = arith.addi %mul3A_448, %add3A_511 : i32
    %get3A_513 = arith.index_cast %add3A_512 : i32 to index
    %get3A_514 = tpu.vector_load %arg4[%get3A_513] {strides = array<i32>} : memref<32768xf32, #tpu.memory_space<vmem>>, vector<16xf32>,
    %eq3A_515 = vector.broadcast %reduce_max3A_433 : f32 to vector<16xf32>
    %eq3A_516 = arith.cmpf oeq, %get3A_514, %eq3A_515 : vector<16xf32>
    %add3A_517 = vector.broadcast %add3A_512 : i32 to vector<16xi32>
    %add3A_518 = arith.addi %iota3A_419, %add3A_517 : vector<16xi32>
    %jit3A_519 = arith.constant 2147483647 : i32
    %broadcast_in_dim3A_520 = vector.broadcast %jit3A_519 : i32 to vector<16xi32>
    %select_n3A_521 = arith.select %eq3A_516, %add3A_518, %broadcast_in_dim3A_520 : vector<16xi1>, vector<16xi32>
    %min3A_522 = arith.minsi %min3A_510, %select_n3A_521 : vector<16xi32>
    %add3A_523 = arith.constant 96 : i32
    %add3A_524 = arith.addi %mul3A_448, %add3A_523 : i32
    %get3A_525 = arith.index_cast %add3A_524 : i32 to index
    %get3A_526 = tpu.vector_load %arg4[%get3A_525] {strides = array<i32>} : memref<32768xf32, #tpu.memory_space<vmem>>, vector<16xf32>,
    %eq3A_527 = vector.broadcast %reduce_max3A_433 : f32 to vector<16xf32>
    %eq3A_528 = arith.cmpf oeq, %get3A_526, %eq3A_527 : vector<16xf32>
    %add3A_529 = vector.broadcast %add3A_524 : i32 to vector<16xi32>
    %add3A_530 = arith.addi %iota3A_419, %add3A_529 : vector<16xi32>
    %jit3A_531 = arith.constant 2147483647 : i32
    %broadcast_in_dim3A_532 = vector.broadcast %jit3A_531 : i32 to vector<16xi32>
    %select_n3A_533 = arith.select %eq3A_528, %add3A_530, %broadcast_in_dim3A_532 : vector<16xi1>, vector<16xi32>
    %min3A_534 = arith.minsi %min3A_522, %select_n3A_533 : vector<16xi32>
    %add3A_535 = arith.constant 112 : i32
    %add3A_536 = arith.addi %mul3A_448, %add3A_535 : i32
    %get3A_537 = arith.index_cast %add3A_536 : i32 to index
    %get3A_538 = tpu.vector_load %arg4[%get3A_537] {strides = array<i32>} : memref<32768xf32, #tpu.memory_space<vmem>>, vector<16xf32>,
    %eq3A_539 = vector.broadcast %reduce_max3A_433 : f32 to vector<16xf32>
    %eq3A_540 = arith.cmpf oeq, %get3A_538, %eq3A_539 : vector<16xf32>
    %add3A_541 = vector.broadcast %add3A_536 : i32 to vector<16xi32>
    %add3A_542 = arith.addi %iota3A_419, %add3A_541 : vector<16xi32>
    %jit3A_543 = arith.constant 2147483647 : i32
    %broadcast_in_dim3A_544 = vector.broadcast %jit3A_543 : i32 to vector<16xi32>
    %select_n3A_545 = arith.select %eq3A_540, %add3A_542, %broadcast_in_dim3A_544 : vector<16xi1>, vector<16xi32>
    %min3A_546 = arith.minsi %min3A_534, %select_n3A_545 : vector<16xi32>
    %reduce_min3A_547 = arith.constant true
    %reduce_min3A_548 = vector.broadcast %reduce_min3A_547 : i1 to vector<16xi1>
    %reduce_min3A_549 = arith.constant -2147483648 : i32
    %reduce_min3A_550 = vector.broadcast %reduce_min3A_549 : i32 to vector<16xi32>
    %reduce_min3A_551 = arith.xori %min3A_546, %reduce_min3A_550 : vector<16xi32>
    %reduce_min3A_552 = tpu.scan <min>, %reduce_min3A_551 masked %reduce_min3A_548 : vector<16xi32>, vector<16xi1> -> vector<16xi32>
    %reduce_min3A_553 = arith.xori %reduce_min3A_552, %reduce_min3A_550 : vector<16xi32>
    %reduce_min3A_554 = vector.extract %reduce_min3A_553[15] : i32 from vector<16xi32>
    %jit3A_555 = arith.constant 16 : i32
    %div3A_556 = arith.divsi %reduce_min3A_554, %jit3A_555 : i32
    %sign3A_557 = arith.constant 0 : i32
    %sign3A_558 = arith.cmpi sgt, %reduce_min3A_554, %sign3A_557 : i32
    %sign3A_559 = arith.extui %sign3A_558 : i1 to i32
    %sign3A_560 = arith.constant 0 : i32
    %sign3A_561 = arith.cmpi slt, %reduce_min3A_554, %sign3A_560 : i32
    %sign3A_562 = arith.extui %sign3A_561 : i1 to i32
    %sign3A_563 = arith.subi %sign3A_559, %sign3A_562 : i32
    %sign3A_564 = arith.constant 0 : i32
    %sign3A_565 = arith.cmpi sgt, %jit3A_555, %sign3A_564 : i32
    %sign3A_566 = arith.extui %sign3A_565 : i1 to i32
    %sign3A_567 = arith.constant 0 : i32
    %sign3A_568 = arith.cmpi slt, %jit3A_555, %sign3A_567 : i32
    %sign3A_569 = arith.extui %sign3A_568 : i1 to i32
    %sign3A_570 = arith.subi %sign3A_566, %sign3A_569 : i32
    %ne3A_571 = arith.cmpi ne, %sign3A_563, %sign3A_570 : i32
    %rem3A_572 = arith.remsi %reduce_min3A_554, %jit3A_555 : i32
    %ne3A_573 = arith.constant 0 : i32
    %ne3A_574 = arith.cmpi ne, %rem3A_572, %ne3A_573 : i32
    %and3A_575 = arith.andi %ne3A_571, %ne3A_574 : i1
    %sub3A_576 = arith.constant 1 : i32
    %sub3A_577 = arith.subi %div3A_556, %sub3A_576 : i32
    %select_n3A_578 = arith.select %and3A_575, %sub3A_577, %div3A_556 : i32
    %mul3A_579 = arith.constant 16 : i32
    %mul3A_580 = arith.muli %select_n3A_578, %mul3A_579 : i32
    %sub3A_581 = arith.subi %reduce_min3A_554, %mul3A_580 : i32
    %dma_wait3A_582 = arith.constant 0 : i32
    %dma_wait3A_583 = tpu.memref_slice %arg3[%add3A_396, %dma_wait3A_582] : memref<128x32768xf32, #tpu.memory_space<hbm>> -> memref<1x32768xf32, #tpu.memory_space<hbm>>
    %dma_wait3A_584 = tpu.memref_squeeze %dma_wait3A_583 : memref<1x32768xf32, #tpu.memory_space<hbm>> -> memref<32768xf32, #tpu.memory_space<hbm>>
    %dma_wait3A_585 = arith.constant 0 : i32
    %dma_wait3A_586 = tpu.memref_slice %arg3[%add3A_396, %dma_wait3A_585] : memref<128x32768xf32, #tpu.memory_space<hbm>> -> memref<1x32768xf32, #tpu.memory_space<hbm>>
    %dma_wait3A_587 = tpu.memref_squeeze %dma_wait3A_586 : memref<1x32768xf32, #tpu.memory_space<hbm>> -> memref<32768xf32, #tpu.memory_space<hbm>>
    tpu.wait_dma2 semaphore(%arg9 : memref<!tpu.dma_semaphore, #tpu.memory_space<semaphore_mem>>) src(%arg6 : memref<32768xf32, #tpu.memory_space<vmem>>) dst(%dma_wait3A_587 : memref<32768xf32, #tpu.memory_space<hbm>>)
    %broadcast_in_dim3A_588 = arith.constant 0.000000e+00 : f32
    %broadcast_in_dim3A_589 = vector.broadcast %broadcast_in_dim3A_588 : f32 to vector<16xf32>
    %swap3A_590 = arith.index_cast %mul3A_374 : i32 to index
    %swap3A_591 = tpu.vector_load %arg6[%swap3A_590] {strides = array<i32>} : memref<32768xf32, #tpu.memory_space<vmem>>, vector<16xf32>,
    tpu.vector_store %arg6[%swap3A_590], %broadcast_in_dim3A_589 {strides = array<i32>} : memref<32768xf32, #tpu.memory_space<vmem>>, vector<16xf32>,
    %eq3A_592 = vector.broadcast %sub3A_581 : i32 to vector<16xi32>
    %eq3A_593 = arith.cmpi eq, %iota3A, %eq3A_592 : vector<16xi32>
    %jit3A_594 = arith.constant 1.000000e+00 : f32
    %jit3A_595 = arith.constant 0.000000e+00 : f32
    %broadcast_in_dim3A_596 = vector.broadcast %jit3A_594 : f32 to vector<16xf32>
    %broadcast_in_dim3A_597 = vector.broadcast %jit3A_595 : f32 to vector<16xf32>
    %select_n3A_598 = arith.select %eq3A_593, %broadcast_in_dim3A_596, %broadcast_in_dim3A_597 : vector<16xi1>, vector<16xf32>
    %swap3A_599 = arith.index_cast %mul3A_580 : i32 to index
    %swap3A_600 = tpu.vector_load %arg6[%swap3A_599] {strides = array<i32>} : memref<32768xf32, #tpu.memory_space<vmem>>, vector<16xf32>,
    tpu.vector_store %arg6[%swap3A_599], %select_n3A_598 {strides = array<i32>} : memref<32768xf32, #tpu.memory_space<vmem>>, vector<16xf32>,
    %add3A_601 = arith.constant 2 : i32
    %add3A_602 = arith.addi %mul3A_2, %add3A_601 : i32
    %dma_start3A_603 = arith.constant 0 : i32
    %dma_start3A_604 = tpu.memref_slice %arg3[%add3A_602, %dma_start3A_603] : memref<128x32768xf32, #tpu.memory_space<hbm>> -> memref<1x32768xf32, #tpu.memory_space<hbm>>
    %dma_start3A_605 = tpu.memref_squeeze %dma_start3A_604 : memref<1x32768xf32, #tpu.memory_space<hbm>> -> memref<32768xf32, #tpu.memory_space<hbm>>
    %dma_start3A_606 = arith.constant 0 : i32
    %dma_start3A_607 = tpu.memref_slice %arg3[%add3A_602, %dma_start3A_606] : memref<128x32768xf32, #tpu.memory_space<hbm>> -> memref<1x32768xf32, #tpu.memory_space<hbm>>
    %dma_start3A_608 = tpu.memref_squeeze %dma_start3A_607 : memref<1x32768xf32, #tpu.memory_space<hbm>> -> memref<32768xf32, #tpu.memory_space<hbm>>
    tpu.enqueue_dma source(%arg6 : memref<32768xf32, #tpu.memory_space<vmem>>) target(%dma_start3A_608 : memref<32768xf32, #tpu.memory_space<hbm>>) target_semaphore(%arg9 : memref<!tpu.dma_semaphore, #tpu.memory_space<semaphore_mem>>)
    %dma_wait3A_609 = arith.constant 0 : i32
    %dma_wait3A_610 = tpu.memref_slice %arg2[%add3A_406, %dma_wait3A_609] : memref<128x32768xf32, #tpu.memory_space<hbm>> -> memref<1x32768xf32, #tpu.memory_space<hbm>>
    %dma_wait3A_611 = tpu.memref_squeeze %dma_wait3A_610 : memref<1x32768xf32, #tpu.memory_space<hbm>> -> memref<32768xf32, #tpu.memory_space<hbm>>
    %dma_wait3A_612 = arith.constant 0 : i32
    %dma_wait3A_613 = tpu.memref_slice %arg2[%add3A_406, %dma_wait3A_612] : memref<128x32768xf32, #tpu.memory_space<hbm>> -> memref<1x32768xf32, #tpu.memory_space<hbm>>
    %dma_wait3A_614 = tpu.memref_squeeze %dma_wait3A_613 : memref<1x32768xf32, #tpu.memory_space<hbm>> -> memref<32768xf32, #tpu.memory_space<hbm>>
    tpu.wait_dma2 semaphore(%arg8 : memref<!tpu.dma_semaphore, #tpu.memory_space<semaphore_mem>>) src(%dma_wait3A_614 : memref<32768xf32, #tpu.memory_space<hbm>>) dst(%arg5 : memref<32768xf32, #tpu.memory_space<vmem>>)
    %iota3A_615 = tpu.iota {dimensions = array<i32: 0>} : vector<16xi32>
    %broadcast_in_dim3A_616 = arith.constant 0xFF800000 : f32
    %broadcast_in_dim3A_617 = vector.broadcast %broadcast_in_dim3A_616 : f32 to vector<16xf32>
    %broadcast_in_dim3A_618 = arith.constant 0 : i32
    %broadcast_in_dim3A_619 = vector.broadcast %broadcast_in_dim3A_618 : i32 to vector<16xi32>
    %scan3A_620 = arith.constant 0 : i32
    %scan3A_621 = arith.constant 256 : i32
    %scan3A_622 = arith.addi %scan3A_620, %scan3A_621 : i32
    %scan3A_623 = arith.constant 1 : i32
    %scan3A_624:2 = scf.for %scan3A_811 = %scan3A_620 to %scan3A_622 step %scan3A_623 iter_args(%scan3A_812 = %broadcast_in_dim3A_617, %scan3A_813 = %broadcast_in_dim3A_619) -> (vector<16xf32>, vector<16xi32>)  : i32 {
      %mul3A_814 = arith.constant 128 : i32
      %mul3A_815 = arith.muli %scan3A_811, %mul3A_814 : i32
      %add3A_816 = arith.constant 0 : i32
      %add3A_817 = arith.addi %mul3A_815, %add3A_816 : i32
      %get3A_818 = arith.index_cast %add3A_817 : i32 to index
      %get3A_819 = tpu.vector_load %arg5[%get3A_818] {strides = array<i32>} : memref<32768xf32, #tpu.memory_space<vmem>>, vector<16xf32>,
      %add3A_820 = arith.constant 16 : i32
      %add3A_821 = arith.addi %mul3A_815, %add3A_820 : i32
      %get3A_822 = arith.index_cast %add3A_821 : i32 to index
      %get3A_823 = tpu.vector_load %arg5[%get3A_822] {strides = array<i32>} : memref<32768xf32, #tpu.memory_space<vmem>>, vector<16xf32>,
      %add3A_824 = arith.constant 32 : i32
      %add3A_825 = arith.addi %mul3A_815, %add3A_824 : i32
      %get3A_826 = arith.index_cast %add3A_825 : i32 to index
      %get3A_827 = tpu.vector_load %arg5[%get3A_826] {strides = array<i32>} : memref<32768xf32, #tpu.memory_space<vmem>>, vector<16xf32>,
      %add3A_828 = arith.constant 48 : i32
      %add3A_829 = arith.addi %mul3A_815, %add3A_828 : i32
      %get3A_830 = arith.index_cast %add3A_829 : i32 to index
      %get3A_831 = tpu.vector_load %arg5[%get3A_830] {strides = array<i32>} : memref<32768xf32, #tpu.memory_space<vmem>>, vector<16xf32>,
      %add3A_832 = arith.constant 64 : i32
      %add3A_833 = arith.addi %mul3A_815, %add3A_832 : i32
      %get3A_834 = arith.index_cast %add3A_833 : i32 to index
      %get3A_835 = tpu.vector_load %arg5[%get3A_834] {strides = array<i32>} : memref<32768xf32, #tpu.memory_space<vmem>>, vector<16xf32>,
      %add3A_836 = arith.constant 80 : i32
      %add3A_837 = arith.addi %mul3A_815, %add3A_836 : i32
      %get3A_838 = arith.index_cast %add3A_837 : i32 to index
      %get3A_839 = tpu.vector_load %arg5[%get3A_838] {strides = array<i32>} : memref<32768xf32, #tpu.memory_space<vmem>>, vector<16xf32>,
      %add3A_840 = arith.constant 96 : i32
      %add3A_841 = arith.addi %mul3A_815, %add3A_840 : i32
      %get3A_842 = arith.index_cast %add3A_841 : i32 to index
      %get3A_843 = tpu.vector_load %arg5[%get3A_842] {strides = array<i32>} : memref<32768xf32, #tpu.memory_space<vmem>>, vector<16xf32>,
      %add3A_844 = arith.constant 112 : i32
      %add3A_845 = arith.addi %mul3A_815, %add3A_844 : i32
      %get3A_846 = arith.index_cast %add3A_845 : i32 to index
      %get3A_847 = tpu.vector_load %arg5[%get3A_846] {strides = array<i32>} : memref<32768xf32, #tpu.memory_space<vmem>>, vector<16xf32>,
      %max3A = arith.maximumf %get3A_819, %get3A_823 : vector<16xf32>
      %max3A_848 = arith.maximumf %get3A_827, %get3A_831 : vector<16xf32>
      %max3A_849 = arith.maximumf %get3A_835, %get3A_839 : vector<16xf32>
      %max3A_850 = arith.maximumf %get3A_843, %get3A_847 : vector<16xf32>
      %max3A_851 = arith.maximumf %max3A, %max3A_848 : vector<16xf32>
      %max3A_852 = arith.maximumf %max3A_849, %max3A_850 : vector<16xf32>
      %max3A_853 = arith.maximumf %max3A_851, %max3A_852 : vector<16xf32>
      %gt3A = arith.cmpf ogt, %max3A_853, %scan3A_812 : vector<16xf32>
      %select_n3A_854 = arith.select %gt3A, %max3A_853, %scan3A_812 : vector<16xi1>, vector<16xf32>
      %broadcast_in_dim3A_855 = vector.broadcast %scan3A_811 : i32 to vector<16xi32>
      %select_n3A_856 = arith.select %gt3A, %broadcast_in_dim3A_855, %scan3A_813 : vector<16xi1>, vector<16xi32>
      scf.yield %select_n3A_854, %select_n3A_856 : vector<16xf32>, vector<16xi32>
    }
    %scan3A_625 = arith.constant 256 : i32
    %reduce_max3A_626 = arith.constant true
    %reduce_max3A_627 = vector.broadcast %reduce_max3A_626 : i1 to vector<16xi1>
    %reduce_max3A_628 = tpu.scan <max>, %scan3A_624#0 masked %reduce_max3A_627 : vector<16xf32>, vector<16xi1> -> vector<16xf32>
    %reduce_max3A_629 = vector.extract %reduce_max3A_628[15] : f32 from vector<16xf32>
    %eq3A_630 = vector.broadcast %reduce_max3A_629 : f32 to vector<16xf32>
    %eq3A_631 = arith.cmpf oeq, %scan3A_624#0, %eq3A_630 : vector<16xf32>
    %jit3A_632 = arith.constant 2147483647 : i32
    %broadcast_in_dim3A_633 = vector.broadcast %jit3A_632 : i32 to vector<16xi32>
    %select_n3A_634 = arith.select %eq3A_631, %scan3A_624#1, %broadcast_in_dim3A_633 : vector<16xi1>, vector<16xi32>
    %reduce_min3A_635 = arith.constant true
    %reduce_min3A_636 = vector.broadcast %reduce_min3A_635 : i1 to vector<16xi1>
    %reduce_min3A_637 = arith.constant -2147483648 : i32
    %reduce_min3A_638 = vector.broadcast %reduce_min3A_637 : i32 to vector<16xi32>
    %reduce_min3A_639 = arith.xori %select_n3A_634, %reduce_min3A_638 : vector<16xi32>
    %reduce_min3A_640 = tpu.scan <min>, %reduce_min3A_639 masked %reduce_min3A_636 : vector<16xi32>, vector<16xi1> -> vector<16xi32>
    %reduce_min3A_641 = arith.xori %reduce_min3A_640, %reduce_min3A_638 : vector<16xi32>
    %reduce_min3A_642 = vector.extract %reduce_min3A_641[15] : i32 from vector<16xi32>
    %mul3A_643 = arith.constant 128 : i32
    %mul3A_644 = arith.muli %reduce_min3A_642, %mul3A_643 : i32
    %broadcast_in_dim3A_645 = arith.constant 2147483647 : i32
    %broadcast_in_dim3A_646 = vector.broadcast %broadcast_in_dim3A_645 : i32 to vector<16xi32>
    %add3A_647 = arith.constant 0 : i32
    %add3A_648 = arith.addi %mul3A_644, %add3A_647 : i32
    %get3A_649 = arith.index_cast %add3A_648 : i32 to index
    %get3A_650 = tpu.vector_load %arg5[%get3A_649] {strides = array<i32>} : memref<32768xf32, #tpu.memory_space<vmem>>, vector<16xf32>,
    %eq3A_651 = vector.broadcast %reduce_max3A_629 : f32 to vector<16xf32>
    %eq3A_652 = arith.cmpf oeq, %get3A_650, %eq3A_651 : vector<16xf32>
    %add3A_653 = vector.broadcast %add3A_648 : i32 to vector<16xi32>
    %add3A_654 = arith.addi %iota3A_615, %add3A_653 : vector<16xi32>
    %jit3A_655 = arith.constant 2147483647 : i32
    %broadcast_in_dim3A_656 = vector.broadcast %jit3A_655 : i32 to vector<16xi32>
    %select_n3A_657 = arith.select %eq3A_652, %add3A_654, %broadcast_in_dim3A_656 : vector<16xi1>, vector<16xi32>
    %min3A_658 = arith.minsi %broadcast_in_dim3A_646, %select_n3A_657 : vector<16xi32>
    %add3A_659 = arith.constant 16 : i32
    %add3A_660 = arith.addi %mul3A_644, %add3A_659 : i32
    %get3A_661 = arith.index_cast %add3A_660 : i32 to index
    %get3A_662 = tpu.vector_load %arg5[%get3A_661] {strides = array<i32>} : memref<32768xf32, #tpu.memory_space<vmem>>, vector<16xf32>,
    %eq3A_663 = vector.broadcast %reduce_max3A_629 : f32 to vector<16xf32>
    %eq3A_664 = arith.cmpf oeq, %get3A_662, %eq3A_663 : vector<16xf32>
    %add3A_665 = vector.broadcast %add3A_660 : i32 to vector<16xi32>
    %add3A_666 = arith.addi %iota3A_615, %add3A_665 : vector<16xi32>
    %jit3A_667 = arith.constant 2147483647 : i32
    %broadcast_in_dim3A_668 = vector.broadcast %jit3A_667 : i32 to vector<16xi32>
    %select_n3A_669 = arith.select %eq3A_664, %add3A_666, %broadcast_in_dim3A_668 : vector<16xi1>, vector<16xi32>
    %min3A_670 = arith.minsi %min3A_658, %select_n3A_669 : vector<16xi32>
    %add3A_671 = arith.constant 32 : i32
    %add3A_672 = arith.addi %mul3A_644, %add3A_671 : i32
    %get3A_673 = arith.index_cast %add3A_672 : i32 to index
    %get3A_674 = tpu.vector_load %arg5[%get3A_673] {strides = array<i32>} : memref<32768xf32, #tpu.memory_space<vmem>>, vector<16xf32>,
    %eq3A_675 = vector.broadcast %reduce_max3A_629 : f32 to vector<16xf32>
    %eq3A_676 = arith.cmpf oeq, %get3A_674, %eq3A_675 : vector<16xf32>
    %add3A_677 = vector.broadcast %add3A_672 : i32 to vector<16xi32>
    %add3A_678 = arith.addi %iota3A_615, %add3A_677 : vector<16xi32>
    %jit3A_679 = arith.constant 2147483647 : i32
    %broadcast_in_dim3A_680 = vector.broadcast %jit3A_679 : i32 to vector<16xi32>
    %select_n3A_681 = arith.select %eq3A_676, %add3A_678, %broadcast_in_dim3A_680 : vector<16xi1>, vector<16xi32>
    %min3A_682 = arith.minsi %min3A_670, %select_n3A_681 : vector<16xi32>
    %add3A_683 = arith.constant 48 : i32
    %add3A_684 = arith.addi %mul3A_644, %add3A_683 : i32
    %get3A_685 = arith.index_cast %add3A_684 : i32 to index
    %get3A_686 = tpu.vector_load %arg5[%get3A_685] {strides = array<i32>} : memref<32768xf32, #tpu.memory_space<vmem>>, vector<16xf32>,
    %eq3A_687 = vector.broadcast %reduce_max3A_629 : f32 to vector<16xf32>
    %eq3A_688 = arith.cmpf oeq, %get3A_686, %eq3A_687 : vector<16xf32>
    %add3A_689 = vector.broadcast %add3A_684 : i32 to vector<16xi32>
    %add3A_690 = arith.addi %iota3A_615, %add3A_689 : vector<16xi32>
    %jit3A_691 = arith.constant 2147483647 : i32
    %broadcast_in_dim3A_692 = vector.broadcast %jit3A_691 : i32 to vector<16xi32>
    %select_n3A_693 = arith.select %eq3A_688, %add3A_690, %broadcast_in_dim3A_692 : vector<16xi1>, vector<16xi32>
    %min3A_694 = arith.minsi %min3A_682, %select_n3A_693 : vector<16xi32>
    %add3A_695 = arith.constant 64 : i32
    %add3A_696 = arith.addi %mul3A_644, %add3A_695 : i32
    %get3A_697 = arith.index_cast %add3A_696 : i32 to index
    %get3A_698 = tpu.vector_load %arg5[%get3A_697] {strides = array<i32>} : memref<32768xf32, #tpu.memory_space<vmem>>, vector<16xf32>,
    %eq3A_699 = vector.broadcast %reduce_max3A_629 : f32 to vector<16xf32>
    %eq3A_700 = arith.cmpf oeq, %get3A_698, %eq3A_699 : vector<16xf32>
    %add3A_701 = vector.broadcast %add3A_696 : i32 to vector<16xi32>
    %add3A_702 = arith.addi %iota3A_615, %add3A_701 : vector<16xi32>
    %jit3A_703 = arith.constant 2147483647 : i32
    %broadcast_in_dim3A_704 = vector.broadcast %jit3A_703 : i32 to vector<16xi32>
    %select_n3A_705 = arith.select %eq3A_700, %add3A_702, %broadcast_in_dim3A_704 : vector<16xi1>, vector<16xi32>
    %min3A_706 = arith.minsi %min3A_694, %select_n3A_705 : vector<16xi32>
    %add3A_707 = arith.constant 80 : i32
    %add3A_708 = arith.addi %mul3A_644, %add3A_707 : i32
    %get3A_709 = arith.index_cast %add3A_708 : i32 to index
    %get3A_710 = tpu.vector_load %arg5[%get3A_709] {strides = array<i32>} : memref<32768xf32, #tpu.memory_space<vmem>>, vector<16xf32>,
    %eq3A_711 = vector.broadcast %reduce_max3A_629 : f32 to vector<16xf32>
    %eq3A_712 = arith.cmpf oeq, %get3A_710, %eq3A_711 : vector<16xf32>
    %add3A_713 = vector.broadcast %add3A_708 : i32 to vector<16xi32>
    %add3A_714 = arith.addi %iota3A_615, %add3A_713 : vector<16xi32>
    %jit3A_715 = arith.constant 2147483647 : i32
    %broadcast_in_dim3A_716 = vector.broadcast %jit3A_715 : i32 to vector<16xi32>
    %select_n3A_717 = arith.select %eq3A_712, %add3A_714, %broadcast_in_dim3A_716 : vector<16xi1>, vector<16xi32>
    %min3A_718 = arith.minsi %min3A_706, %select_n3A_717 : vector<16xi32>
    %add3A_719 = arith.constant 96 : i32
    %add3A_720 = arith.addi %mul3A_644, %add3A_719 : i32
    %get3A_721 = arith.index_cast %add3A_720 : i32 to index
    %get3A_722 = tpu.vector_load %arg5[%get3A_721] {strides = array<i32>} : memref<32768xf32, #tpu.memory_space<vmem>>, vector<16xf32>,
    %eq3A_723 = vector.broadcast %reduce_max3A_629 : f32 to vector<16xf32>
    %eq3A_724 = arith.cmpf oeq, %get3A_722, %eq3A_723 : vector<16xf32>
    %add3A_725 = vector.broadcast %add3A_720 : i32 to vector<16xi32>
    %add3A_726 = arith.addi %iota3A_615, %add3A_725 : vector<16xi32>
    %jit3A_727 = arith.constant 2147483647 : i32
    %broadcast_in_dim3A_728 = vector.broadcast %jit3A_727 : i32 to vector<16xi32>
    %select_n3A_729 = arith.select %eq3A_724, %add3A_726, %broadcast_in_dim3A_728 : vector<16xi1>, vector<16xi32>
    %min3A_730 = arith.minsi %min3A_718, %select_n3A_729 : vector<16xi32>
    %add3A_731 = arith.constant 112 : i32
    %add3A_732 = arith.addi %mul3A_644, %add3A_731 : i32
    %get3A_733 = arith.index_cast %add3A_732 : i32 to index
    %get3A_734 = tpu.vector_load %arg5[%get3A_733] {strides = array<i32>} : memref<32768xf32, #tpu.memory_space<vmem>>, vector<16xf32>,
    %eq3A_735 = vector.broadcast %reduce_max3A_629 : f32 to vector<16xf32>
    %eq3A_736 = arith.cmpf oeq, %get3A_734, %eq3A_735 : vector<16xf32>
    %add3A_737 = vector.broadcast %add3A_732 : i32 to vector<16xi32>
    %add3A_738 = arith.addi %iota3A_615, %add3A_737 : vector<16xi32>
    %jit3A_739 = arith.constant 2147483647 : i32
    %broadcast_in_dim3A_740 = vector.broadcast %jit3A_739 : i32 to vector<16xi32>
    %select_n3A_741 = arith.select %eq3A_736, %add3A_738, %broadcast_in_dim3A_740 : vector<16xi1>, vector<16xi32>
    %min3A_742 = arith.minsi %min3A_730, %select_n3A_741 : vector<16xi32>
    %reduce_min3A_743 = arith.constant true
    %reduce_min3A_744 = vector.broadcast %reduce_min3A_743 : i1 to vector<16xi1>
    %reduce_min3A_745 = arith.constant -2147483648 : i32
    %reduce_min3A_746 = vector.broadcast %reduce_min3A_745 : i32 to vector<16xi32>
    %reduce_min3A_747 = arith.xori %min3A_742, %reduce_min3A_746 : vector<16xi32>
    %reduce_min3A_748 = tpu.scan <min>, %reduce_min3A_747 masked %reduce_min3A_744 : vector<16xi32>, vector<16xi1> -> vector<16xi32>
    %reduce_min3A_749 = arith.xori %reduce_min3A_748, %reduce_min3A_746 : vector<16xi32>
    %reduce_min3A_750 = vector.extract %reduce_min3A_749[15] : i32 from vector<16xi32>
    %jit3A_751 = arith.constant 16 : i32
    %div3A_752 = arith.divsi %reduce_min3A_750, %jit3A_751 : i32
    %sign3A_753 = arith.constant 0 : i32
    %sign3A_754 = arith.cmpi sgt, %reduce_min3A_750, %sign3A_753 : i32
    %sign3A_755 = arith.extui %sign3A_754 : i1 to i32
    %sign3A_756 = arith.constant 0 : i32
    %sign3A_757 = arith.cmpi slt, %reduce_min3A_750, %sign3A_756 : i32
    %sign3A_758 = arith.extui %sign3A_757 : i1 to i32
    %sign3A_759 = arith.subi %sign3A_755, %sign3A_758 : i32
    %sign3A_760 = arith.constant 0 : i32
    %sign3A_761 = arith.cmpi sgt, %jit3A_751, %sign3A_760 : i32
    %sign3A_762 = arith.extui %sign3A_761 : i1 to i32
    %sign3A_763 = arith.constant 0 : i32
    %sign3A_764 = arith.cmpi slt, %jit3A_751, %sign3A_763 : i32
    %sign3A_765 = arith.extui %sign3A_764 : i1 to i32
    %sign3A_766 = arith.subi %sign3A_762, %sign3A_765 : i32
    %ne3A_767 = arith.cmpi ne, %sign3A_759, %sign3A_766 : i32
    %rem3A_768 = arith.remsi %reduce_min3A_750, %jit3A_751 : i32
    %ne3A_769 = arith.constant 0 : i32
    %ne3A_770 = arith.cmpi ne, %rem3A_768, %ne3A_769 : i32
    %and3A_771 = arith.andi %ne3A_767, %ne3A_770 : i1
    %sub3A_772 = arith.constant 1 : i32
    %sub3A_773 = arith.subi %div3A_752, %sub3A_772 : i32
    %select_n3A_774 = arith.select %and3A_771, %sub3A_773, %div3A_752 : i32
    %mul3A_775 = arith.constant 16 : i32
    %mul3A_776 = arith.muli %select_n3A_774, %mul3A_775 : i32
    %sub3A_777 = arith.subi %reduce_min3A_750, %mul3A_776 : i32
    %dma_wait3A_778 = arith.constant 0 : i32
    %dma_wait3A_779 = tpu.memref_slice %arg3[%add3A_602, %dma_wait3A_778] : memref<128x32768xf32, #tpu.memory_space<hbm>> -> memref<1x32768xf32, #tpu.memory_space<hbm>>
    %dma_wait3A_780 = tpu.memref_squeeze %dma_wait3A_779 : memref<1x32768xf32, #tpu.memory_space<hbm>> -> memref<32768xf32, #tpu.memory_space<hbm>>
    %dma_wait3A_781 = arith.constant 0 : i32
    %dma_wait3A_782 = tpu.memref_slice %arg3[%add3A_602, %dma_wait3A_781] : memref<128x32768xf32, #tpu.memory_space<hbm>> -> memref<1x32768xf32, #tpu.memory_space<hbm>>
    %dma_wait3A_783 = tpu.memref_squeeze %dma_wait3A_782 : memref<1x32768xf32, #tpu.memory_space<hbm>> -> memref<32768xf32, #tpu.memory_space<hbm>>
    tpu.wait_dma2 semaphore(%arg9 : memref<!tpu.dma_semaphore, #tpu.memory_space<semaphore_mem>>) src(%arg6 : memref<32768xf32, #tpu.memory_space<vmem>>) dst(%dma_wait3A_783 : memref<32768xf32, #tpu.memory_space<hbm>>)
    %broadcast_in_dim3A_784 = arith.constant 0.000000e+00 : f32
    %broadcast_in_dim3A_785 = vector.broadcast %broadcast_in_dim3A_784 : f32 to vector<16xf32>
    %swap3A_786 = arith.index_cast %mul3A_580 : i32 to index
    %swap3A_787 = tpu.vector_load %arg6[%swap3A_786] {strides = array<i32>} : memref<32768xf32, #tpu.memory_space<vmem>>, vector<16xf32>,
    tpu.vector_store %arg6[%swap3A_786], %broadcast_in_dim3A_785 {strides = array<i32>} : memref<32768xf32, #tpu.memory_space<vmem>>, vector<16xf32>,
    %eq3A_788 = vector.broadcast %sub3A_777 : i32 to vector<16xi32>
    %eq3A_789 = arith.cmpi eq, %iota3A, %eq3A_788 : vector<16xi32>
    %jit3A_790 = arith.constant 1.000000e+00 : f32
    %jit3A_791 = arith.constant 0.000000e+00 : f32
    %broadcast_in_dim3A_792 = vector.broadcast %jit3A_790 : f32 to vector<16xf32>
    %broadcast_in_dim3A_793 = vector.broadcast %jit3A_791 : f32 to vector<16xf32>
    %select_n3A_794 = arith.select %eq3A_789, %broadcast_in_dim3A_792, %broadcast_in_dim3A_793 : vector<16xi1>, vector<16xf32>
    %swap3A_795 = arith.index_cast %mul3A_776 : i32 to index
    %swap3A_796 = tpu.vector_load %arg6[%swap3A_795] {strides = array<i32>} : memref<32768xf32, #tpu.memory_space<vmem>>, vector<16xf32>,
    tpu.vector_store %arg6[%swap3A_795], %select_n3A_794 {strides = array<i32>} : memref<32768xf32, #tpu.memory_space<vmem>>, vector<16xf32>,
    %add3A_797 = arith.constant 3 : i32
    %add3A_798 = arith.addi %mul3A_2, %add3A_797 : i32
    %dma_start3A_799 = arith.constant 0 : i32
    %dma_start3A_800 = tpu.memref_slice %arg3[%add3A_798, %dma_start3A_799] : memref<128x32768xf32, #tpu.memory_space<hbm>> -> memref<1x32768xf32, #tpu.memory_space<hbm>>
    %dma_start3A_801 = tpu.memref_squeeze %dma_start3A_800 : memref<1x32768xf32, #tpu.memory_space<hbm>> -> memref<32768xf32, #tpu.memory_space<hbm>>
    %dma_start3A_802 = arith.constant 0 : i32
    %dma_start3A_803 = tpu.memref_slice %arg3[%add3A_798, %dma_start3A_802] : memref<128x32768xf32, #tpu.memory_space<hbm>> -> memref<1x32768xf32, #tpu.memory_space<hbm>>
    %dma_start3A_804 = tpu.memref_squeeze %dma_start3A_803 : memref<1x32768xf32, #tpu.memory_space<hbm>> -> memref<32768xf32, #tpu.memory_space<hbm>>
    tpu.enqueue_dma source(%arg6 : memref<32768xf32, #tpu.memory_space<vmem>>) target(%dma_start3A_804 : memref<32768xf32, #tpu.memory_space<hbm>>) target_semaphore(%arg9 : memref<!tpu.dma_semaphore, #tpu.memory_space<semaphore_mem>>)
    %dma_wait3A_805 = arith.constant 0 : i32
    %dma_wait3A_806 = tpu.memref_slice %arg3[%add3A_798, %dma_wait3A_805] : memref<128x32768xf32, #tpu.memory_space<hbm>> -> memref<1x32768xf32, #tpu.memory_space<hbm>>
    %dma_wait3A_807 = tpu.memref_squeeze %dma_wait3A_806 : memref<1x32768xf32, #tpu.memory_space<hbm>> -> memref<32768xf32, #tpu.memory_space<hbm>>
    %dma_wait3A_808 = arith.constant 0 : i32
    %dma_wait3A_809 = tpu.memref_slice %arg3[%add3A_798, %dma_wait3A_808] : memref<128x32768xf32, #tpu.memory_space<hbm>> -> memref<1x32768xf32, #tpu.memory_space<hbm>>
    %dma_wait3A_810 = tpu.memref_squeeze %dma_wait3A_809 : memref<1x32768xf32, #tpu.memory_space<hbm>> -> memref<32768xf32, #tpu.memory_space<hbm>>
    tpu.wait_dma2 semaphore(%arg9 : memref<!tpu.dma_semaphore, #tpu.memory_space<semaphore_mem>>) src(%arg6 : memref<32768xf32, #tpu.memory_space<vmem>>) dst(%dma_wait3A_810 : memref<32768xf32, #tpu.memory_space<hbm>>)
    return
  }
}

</mosaic_0001>

<sc_bundles>
// kernel: kernel.3.cloned.1.call-start
scs
__scs_entry_jumppad:
0x0: {  	(pc) =	sbr.rel $0x88, $3  }
0x1: {  	(tag) =	ssettag $0x0;
	lr =	simm.s32 $0x1  }
0x2: {  	[smem:$0x3FA0] =	sst lr;
	_ =	strace $0xD0000000  }
0x3: {  	_ = 	snop  }
0x4: {  	_ = 	snop  }
0x5: {  	_ = 	snop  }
0x6: {  	_ = 	snop  }
0x7: {  	_ = 	snop  }
__scs_overlays_trampoline_lowered:
0x8: {  	[smem:$0x3FAF] =	sst s0  }
0x9: {  	[smem:$0x3FB0] =	sst s1  }
0xa: {  	[smem:$0x3FB1] =	sst s2  }
0xb: {  	[smem:$0x3FB2] =	sst s3  }
0xc: {  	[smem:$0x3FB3] =	sst s4  }
0xd: {  	[smem:$0x3FB4] =	sst s5  }
0xe: {  	[smem:$0x3FB5] =	sst s6  }
0xf: {  	[smem:$0x3FB6] =	sst s7  }
0x10: {  	[smem:$0x3FB7] =	sst s8  }
0x11: {  	[smem:$0x3FB8] =	sst s9;
	s0 =	simm.s32 @!p0 $0x0  }
0x12: {  	s1 =	sld [smem:$0x3F9E];
	s0 =	simm.s32 @p0 $0x1  }
0x13: {  	[smem:$0x3FB9] =	sst s0;
	s0 =	simm.s32 @!p1 $0x0  }
0x14: {  	s2 =	sld [smem:$0x3F9D];
	s0 =	simm.s32 @p1 $0x1  }
0x15: {  	[smem:$0x3FBA] =	sst s0;
	s0 =	simm.s32 @!p2 $0x0  }
0x16: {  	s3 =	sld [smem:$0x3FDB];
	s0 =	simm.s32 @p2 $0x1  }
0x17: {  	s4 =	simm.s32 $0x1BF5;
	[smem:$0x3FBC] =	sst s0  }
0x18: {  	s0 =	sld [smem:$0x3F9F];
	_ =	swait.ge [sflag:s4], $0x0  }
0x19: {  	s7 =	sld [smem:$0x3FA0]  }
0x1a: {  	s8 =	sadd.s32 $0xFFFFE003, lr  }
0x1b: {  	s9 =	sadd.s32 $0xFFFFFEF7, lr;
	s5 =	simm.s32 $0xFFFFFFFF;
	p2 =	slt.u32 s8, $0xFFFFF086  }
0x1c: {  	p1 =	slt.u32 s9, $0xF7A;
	s5 =	simm.s32 @!p2 $0x0  }
0x1d: {  	s5 =	simm.s32 @p1 $0x1;
	p0 =	seq.s32 s7, s2  }
0x1e: {  	s7 =	smul.u32 @!p0 $0xF7A, s2;
	p2 =	seq.s32 @!p0 s5, $0x0  }
0x1f: {  	s9 =	smul.u32 $0xF7A, s1;
	s8 =	simm.s32 @!p0 $0x1BF5;
	p2 =	por !p2, p0  }
0x20: {  	[sflag:s8] =	ssyncset.s32 @!p0 $0xFFFFF086;
	s6 =	sadd.s32 @!p0 s3, s7;
	s7 =	simm.s32 @!p0 $0x108  }
0x21: {  	s3 =	sadd.s32 s3, s9;
	s6 =	sadd.s32 @!p0 $0x88, s6;
	s7 =	simm.s32 @p2 $0x1082  }
0x22: {  	[simem:s7], [sflag:s8] =	dma.local @!p0 [hbm:s6], $0xF7A  }
0x23: {  	s9 =	sor.u32 $0xD0000000, s2;
	s6 =	simm.s32 $0x108;
	_ =	swait.ge @!p0 [sflag:s8], $0x0  }
0x24: {  	s3 =	sadd.s32 $0x88, s3;
	s6 =	simm.s32 @!p1 $0x1082;
	[sflag:s4] =	ssyncset.s32 $0xFFFFF086  }
0x25: {  	[simem:s6], [sflag:s4] =	dma.local [hbm:s3], $0xF7A  }
0x26: {  	[smem:$0x3FA0] =	sst s1;
	(tag) =	ssettag s2;
	_ =	strace s9  }
0x27: {  	s1 =	sld [smem:$0x3FB0]  }
0x28: {  	s2 =	sld [smem:$0x3FB1]  }
0x29: {  	s4 =	sld [smem:$0x3FB3]  }
0x2a: {  	p0 =	seq.s32 s5, $0x0;
	s5 =	sld [smem:$0x3FB4]  }
0x2b: {  	s6 =	sld [smem:$0x3FB5]  }
0x2c: {  	s7 =	sld [smem:$0x3FB6]  }
0x2d: {  	s3 =	simm.s32 $0x108;
	s8 =	sld [smem:$0x3FB7]  }
0x2e: {  	s3 =	simm.s32 @!p0 $0x1082;
	s9 =	sld [smem:$0x3FB8]  }
0x2f: {  	lr =	sadd.s32 s0, s3;
	s0 =	sld [smem:$0x3FAF]  }
0x30: {  	s3 =	sld [smem:$0x3FB2]  }
0x31: {  	[smem:$0x3FBB] =	sst s10  }
0x32: {  	s10 =	sld [smem:$0x3FB9];
	_ =	sdelay $0x3  }
0x33: {  	p0 =	seq.s32 s10, $0x1;
	s10 =	sld [smem:$0x3FBB];
	_ =	sdelay $0x3  }
0x34: {  	[smem:$0x3FBB] =	sst s10  }
0x35: {  	s10 =	sld [smem:$0x3FBA];
	_ =	sdelay $0x3  }
0x36: {  	p1 =	seq.s32 s10, $0x1;
	s10 =	sld [smem:$0x3FBB];
	_ =	sdelay $0x3  }
0x37: {  	[smem:$0x3FBB] =	sst s10  }
0x38: {  	s10 =	sld [smem:$0x3FBC]  }
0x39: {  	_ = 	snop;
	(pc) =	sbr.ind lr, $3  }
0x3a: {  	_ = 	snop  }
0x3b: {  	_ = 	snop  }
0x3c: {  	p2 =	seq.s32 s10, $0x1;
	s10 =	sld [smem:$0x3FBB]  }
0x3d: {  	_ =	shalt  }
0x3e: {  	_ =	shalt  }
0x3f: {  	_ =	shalt  }
0x40: {  	_ =	shalt  }
0x41: {  	_ =	shalt  }
0x42: {  	_ =	shalt  }
0x43: {  	_ =	shalt  }
0x44: {  	_ =	shalt  }
0x45: {  	_ =	shalt  }
0x46: {  	_ =	shalt  }
0x47: {  	_ =	shalt  }
0x48: {  	_ =	shalt  }
0x49: {  	_ =	shalt  }
0x4a: {  	_ =	shalt  }
0x4b: {  	_ =	shalt  }
0x4c: {  	_ =	shalt  }
0x4d: {  	_ =	shalt  }
0x4e: {  	_ =	shalt  }
0x4f: {  	_ =	shalt  }
0x50: {  	_ =	shalt  }
0x51: {  	_ =	shalt  }
0x52: {  	_ =	shalt  }
0x53: {  	_ =	shalt  }
0x54: {  	_ =	shalt  }
0x55: {  	_ =	shalt  }
0x56: {  	_ =	shalt  }
0x57: {  	_ =	shalt  }
0x58: {  	_ =	shalt  }
0x59: {  	_ =	shalt  }
0x5a: {  	_ =	shalt  }
0x5b: {  	_ =	shalt  }
0x5c: {  	_ =	shalt  }
0x5d: {  	_ =	shalt  }
0x5e: {  	_ =	shalt  }
0x5f: {  	_ =	shalt  }
0x60: {  	_ =	shalt  }
0x61: {  	_ =	shalt  }
0x62: {  	_ =	shalt  }
0x63: {  	_ =	shalt  }
0x64: {  	_ =	shalt  }
0x65: {  	_ =	shalt  }
0x66: {  	_ =	shalt  }
0x67: {  	_ =	shalt  }
0x68: {  	_ =	shalt  }
0x69: {  	_ =	shalt  }
0x6a: {  	_ =	shalt  }
0x6b: {  	_ =	shalt  }
0x6c: {  	_ =	shalt  }
0x6d: {  	_ =	shalt  }
0x6e: {  	_ =	shalt  }
0x6f: {  	_ =	shalt  }
0x70: {  	_ =	shalt  }
0x71: {  	_ =	shalt  }
0x72: {  	_ =	shalt  }
0x73: {  	_ =	shalt  }
0x74: {  	_ =	shalt  }
0x75: {  	_ =	shalt  }
0x76: {  	_ =	shalt  }
0x77: {  	_ =	shalt  }
0x78: {  	_ =	shalt  }
0x79: {  	_ =	shalt  }
0x7a: {  	_ =	shalt  }
0x7b: {  	_ =	shalt  }
0x7c: {  	_ =	shalt  }
0x7d: {  	_ =	shalt  }
0x7e: {  	_ =	shalt  }
0x7f: {  	_ =	shalt  }
0x80: {  	_ =	shalt  }
0x81: {  	_ =	shalt  }
0x82: {  	_ =	shalt  }
0x83: {  	_ =	shalt  }
0x84: {  	_ =	shalt  }
0x85: {  	_ =	shalt  }
0x86: {  	_ =	shalt  }
0x87: {  	_ =	shalt  }
.Lfunc_end0:
.L_simem_size_0:
called_computation_lowered:
.L_overlay_start_0:
0x88: {  	s2 =	sld [smem:$0x3FD9]  }
0x89: {  	s3 =	sld [smem:$0x3FFE];
	_ =	sdelay $0x1  }
0x8a: {  	s1 =	srdreg.scid  }
0x8b: {  	s0 =	sand.u32 $0x1, s1  }
0x8c: {  	s18 =	sshll.u32 s0, $0xA;
	s2 =	sadd.s32 s3, s2  }
0x8d: {  	s2 =	sadd.s32 s2, s18  }
0x8e: {  	[smem:$0x3FC7] =	sst s2  }
0x8f: {  	_ = 	snop  }
0x90: {  	s2 =	sld [smem:$0x3FC9]  }
0x91: {  	s19 =	sld [smem:$0x3FD0];
	(tm) =	ssettm $0x1  }
0x92: {  	s4 =	sld [smem:$0x3FFB];
	_ =	sdelay $0x3  }
0x93: {  	_ =	strace s4  }
0x94: {  	s4 =	sld [smem:$0x3FFC];
	_ =	sdelay $0x3  }
0x95: {  	_ =	strace s4  }
0x96: {  	s4 =	sld [smem:$0x3FFD];
	_ =	sdelay $0x3  }
0x97: {  	_ =	strace s4  }
0x98: {  	_ =	strace $0x8FFFFFFF  }
0x99: {  	s20 =	sld [smem:$0x3FDB];
	_ =	sdelay $0x1  }
0x9a: {  	s5 =	simm.s32 $_scs_section_size  }
0x9b: {  	s6 =	simm.s32 $_size__tile_overlayer_lowered;
	s7 =	simm.s32 $_tile_overlayer_lowered  }
0x9c: {  	s23 =	simm.s32 $0x1BFF;
	s22 =	sshll.u32 s7, $0x1;
	s4 =	sadd.s32 s5, s20  }
0x9d: {  	s8 =	simm.s32 $0x0;
	s21 =	sshll.u32 s6, $0x1;
	s6 =	sadd.s32 s22, s4  }
0x9e: {  	[timem:s8], [sflag:s23] =	dma.local [hbm:s6], s21  }
0x9f: {  	_ =	swait.ge [sflag:s23], s21  }
0xa0: {  	s5 =	ssub.s32 $0x0, s21;
	[sflag:s23] =	ssyncset.done $0x0  }
0xa1: {  	[sflag:s23] =	ssyncadd.s32 s5;
	_ =	sdelay $0x1  }
0xa2: {  	s24 =	simm.s32 $0x1B8B  }
0xa3: {  	_ =	swait.ge [sflag:s24], $0x1  }
0xa4: {  	[sflag:s24] =	ssyncset.done $0x0  }
0xa5: {  	s25 =	simm.s32 $0x1B8E;
	[sflag:s24] =	ssyncadd.s32 $0xFFFFFFFF  }
0xa6: {  	s26 =	simm.s32 $execute0_lowered;
	[smem:$0x3FD2] =	sst s25  }
0xa7: {  	s5 =	sshll.u32 s26, $0x1;
	_ =	strace $0x80000046;
	[dreg:$0x1] =	wrdreg $0xFFFFFFFF  }
0xa8: {  	s28 =	simm.s32 $_size_execute0_lowered;
	s4 =	sadd.s32 s4, s5;
	[dreg:$0x0] =	wrdreg $0x0  }
0xa9: {  	s5 =	sshll.u32 s28, $0x1;
	[dreg:$0x2] =	wrdreg s4  }
0xaa: {  	[dreg:$0x3] =	wrdreg s5  }
0xab: {  	[dreg:$0x4] =	wrdreg $0xC0  }
0xac: {  	_ =	task [dreg:s8], $0x5FFFF  }
0xad: {  	[dreg:$0x1] =	wrdreg $0xFFFFFFFF  }
0xae: {  	[dreg:$0x0] =	wrdreg $0x60  }
0xaf: {  	[dreg:$0x2] =	wrdreg s2  }
0xb0: {  	[dreg:$0x3] =	wrdreg s19  }
0xb1: {  	[dreg:$0x4] =	wrdreg $0x9  }
0xb2: {  	_ =	task.clear_ibuf [dreg:s8], $0x5FFFF;
	_ =	strace $0x90000046  }
0xb3: {  	s29 =	simm.s32 $0x9;
	_ =	strace $0x80000048  }
0xb4: {  	_ =	swait.ge [sflag:s29], $0x1  }
0xb5: {  	[sflag:s29] =	ssyncadd.s32 $0xFFFFFFFF  }
0xb6: {  	_ =	strace $0x90000048  }
0xb7: {  	_ =	sfence  }
0xb8: {  	s30 =	sld [smem:$0x0];
	_ =	sdelay $0x2  }
0xb9: {  	s31 =	sshll.u32 s1, $0xD;
	s1 =	sshrl.u32 s1, $0x2  }
0xba: {  	s3 =	sand.u32 $0x4000, s31;
	s1 =	sadd.s32 s1, s30  }
0xbb: {  	s0 =	sor.u32 s3, s0;
	s1 =	sshll.u32 s1, $0x11  }
0xbc: {  	s0 =	sor.u32 s1, s0  }
0xbd: {  	s0 =	sadd.s32 $0x8F2B, s0  }
0xbe: {  	[sflag:s0] =	ssyncadd.remote.s32 $0x1  }
0xbf: {  	_ =	sfence.sel $0xFFFF  }
0xc0: {  	[dreg:$0x0] =	wrdreg $0xFFFFFFFF;
	(pc) =	sbr.abs _section_cstart, $3  }
0xc1: {  	[dreg:$0x1] =	wrdreg $0xFFFFFFFF  }
0xc2: {  	_ =	task.clear_ibuf [dreg:s8], $0x2FFFF;
	_ =	strace $0x9FFFFFFF  }
0xc3: {  	(tm) =	ssettm $0x7FFFFFFF  }
tec
execute0_lowered:
.L_overlay_start_1:
0x0: {  	(tag) =	ssettag $0x1  }
0x1: {  	s8 =	rddreg [dreg:$0x0]  }
0x2: {  	s10 =	rddreg [dreg:$0x1]  }
0x3: {  	s0 =	rddreg [dreg:$0x2]  }
0x4: {  	s2 =	simm.s32 $0x0;
	s3 =	srdreg.scid;
	s1 =	stileid.u32  }
0x5: {  	s14 =	simm.s32 $0x8000;
	s15 =	simm.s32 $0x1;
	s16 =	simm.s32 $0x10000  }
0x6: {  	s17 =	simm.s32 $0x2;
	s18 =	simm.s32 $0x3;
	s19 =	simm.s32 $0x0  }
0x7: {  	[smem:$0x7FF] =	sst s2;
	s3 =	sand.u32 $0x1, s3;
	s4 =	sshll.u32 s1, $0xE  }
0x8: {  	s6 =	sshll.u32 s1, $0x6;
	s5 =	sshll.u32 s3, $0x12;
	s4 =	sand.u32 $0x38000, s4  }
0x9: {  	s3 =	ssub.s32 $0x2, s3;
	s30 =	sand.u32 $0x40, s6;
	s4 =	sor.u32 s5, s4  }
0xa: {  	_ =	strace $0x80000047;
	s31 =	sshrl.u32 s3, $0x1;
	s9 =	sor.u32 s30, s4  }
0xb: {  	s11 =	ssub.s32 s3, s31;
	s3 =	sadd.s32 s8, s9;
	s7 =	sor.u32 $0x10, s9  }
0xc: {  	s5 =	sadd.s32 s10, s9;
	s12 =	sor.u32 $0x20, s9;
	s13 =	sor.u32 $0x30, s9  }
0xd: {  	s11 =	smax.u32 s11, $0x1;
	s4 =	sadd.s32 s8, s7;
	s6 =	sadd.s32 s8, s12  }
0xe: {  	s7 =	sadd.s32 s10, s7;
	s8 =	sadd.s32 s8, s13;
	s9 =	sadd.s32 s10, s12  }
0xf: {  	v0 =	vimm.f32 $0.0e+00;
	v1 =	vlaneseq.u32;
	s10 =	sadd.s32 s10, s13;
	s12 =	simm.s32 $0x80;
	s13 =	simm.s32 $0x400  }
.LBB2_1:
0x10: {  	[tilespmem:s2], [sflag:$0x1] =	stream.strided.gather [hbm4b:s3+s12], $0x8000, s13, s12, $0x38;
	[tilespmem:$0x18000] =	vst v63  }
0x11: {  	s20 =	simm.s32 $0x0;
	s21 =	simm.s32 $0x200  }
.LBB2_2:
0x12: {  	p0 =	sne.s32 s21, $0x1FE00;
	[tilespmem:s20+$0x10070] =	vst v0  }
0x13: {  	[tilespmem:s20+$0x10000] =	vst v0  }
0x14: {  	[tilespmem:s20+$0x10010] =	vst v0  }
.Ltmp0:
0x15: {  	[tilespmem:s20+$0x10020] =	vst v0;
	(pc) =	sbr.rel @p0 .LBB2_2-.Ltmp0, $4  }
0x16: {  	[tilespmem:s20+$0x10030] =	vst v0  }
0x17: {  	[tilespmem:s20+$0x10040] =	vst v0  }
0x18: {  	[tilespmem:s20+$0x10050] =	vst v0  }
0x19: {  	[tilespmem:s20+$0x10060] =	vst v0;
	s20 =	sshra.s32 s21, $0x2;
	s21 =	sadd.s32 $0x200, s21  }
0x1a: {  	[tilespmem:s20+$0x10070] =	vst v0  }
0x1b: {  	[tilespmem:s20+$0x10000] =	vst v0  }
0x1c: {  	[tilespmem:s20+$0x10010] =	vst v0  }
0x1d: {  	[tilespmem:s20+$0x10020] =	vst v0  }
0x1e: {  	[tilespmem:s20+$0x10030] =	vst v0  }
0x1f: {  	[tilespmem:s20+$0x10040] =	vst v0  }
0x20: {  	[tilespmem:s20+$0x10050] =	vst v0  }
0x21: {  	[tilespmem:s20+$0x10060] =	vst v0  }
0x22: {  	[tilespmem:s14], [sflag:$0x2] =	stream.strided.gather [hbm4b:s4+s12], $0x8000, s13, s12, $0x38;
	[tilespmem:$0x18000] =	vst v63  }
0x23: {  	_ =	swait.ge [sflag:s15], $0x8000  }
0x24: {  	[sflag:s15] =	ssyncset.done $0x0  }
0x25: {  	s31 =	simm.s32 $0x40;
	[sflag:s15] =	ssyncadd.s32 $0xFFFF8000  }
0x26: {  	v2 =	vld [tilespmem:s31+$0xFFFFFFC0]  }
0x27: {  	v3 =	vld [tilespmem:s31+$0xFFFFFFD0]  }
0x28: {  	v4 =	vld [tilespmem:s31+$0xFFFFFFE0]  }
0x29: {  	v7 =	vld [tilespmem:s31+$0xFFFFFFF0]  }
0x2a: {  	v9 =	vld [tilespmem:s31+$0x0]  }
0x2b: {  	v11 =	vld [tilespmem:s31+$0x10]  }
0x2c: {  	v12 =	vld [tilespmem:s31+$0x20]  }
0x2d: {  	s22 =	simm.s32 $0xC0;
	v13 =	vld [tilespmem:s31+$0x30]  }
0x2e: {  	v5 =	vld [tilespmem:s22+$0xFFFFFFC0]  }
0x2f: {  	v8 =	vld [tilespmem:s22+$0xFFFFFFD0]  }
0x30: {  	v10 =	vld [tilespmem:s22+$0xFFFFFFE0]  }
0x31: {  	v6 =	vld [tilespmem:s22+$0xFFFFFFF0];
	v2 =	vmax.f32 v2, v3  }
0x32: {  	v3 =	vld [tilespmem:s22+$0x0];
	v4 =	vmax.f32 v4, v7;
	v9 =	vmax.f32 v9, v11;
	v11 =	vmax.f32 v12, v13  }
0x33: {  	v7 =	vld [tilespmem:s22+$0x10];
	v2 =	vmax.f32 v2, v4;
	v11 =	vmax.f32 v9, v11  }
0x34: {  	s20 =	simm.s32 $0x0;
	v4 =	vimm.f32 $-Inf;
	v9 =	vld [tilespmem:s22+$0x20];
	v12 =	vmax.f32 v2, v11  }
0x35: {  	s21 =	simm.s32 $0x1;
	s23 =	simm.s32 $0x2;
	v2 =	vimm.s32 $0x0;
	v11 =	vld [tilespmem:s22+$0x30];
	s22 =	simm.s32 $0x140;
	vm0 =	vgt.f32 v12, v4  }
.LBB2_4:
0x36: {  	v13 =	vld [tilespmem:s22+$0xFFFFFFC0];
	p0 =	sne.s32 s23, $0xFF;
	v4 =	vsel vm0, v12, v4;
	v2 =	vsel vm0, s20, v2;
	v12 =	vmov v6;
	s20 =	smov.u32 s21;
	s21 =	smov.u32 s23  }
0x37: {  	v14 =	vld [tilespmem:s22+$0xFFFFFFD0]  }
0x38: {  	v15 =	vld [tilespmem:s22+$0xFFFFFFE0]  }
.Ltmp1:
0x39: {  	v16 =	vmax.f32 v5, v8;
	v6 =	vld [tilespmem:s22+$0xFFFFFFF0];
	(pc) =	sbr.rel @p0 .LBB2_4-.Ltmp1, $4  }
0x3a: {  	v17 =	vmax.f32 v10, v12;
	v10 =	vmax.f32 v3, v7;
	v3 =	vld [tilespmem:s22+$0x0];
	v9 =	vmax.f32 v9, v11  }
0x3b: {  	v11 =	vmax.f32 v16, v17;
	v7 =	vld [tilespmem:s22+$0x10];
	v16 =	vmax.f32 v10, v9;
	v5 =	vmov v13  }
0x3c: {  	v9 =	vld [tilespmem:s22+$0x20];
	v12 =	vmax.f32 v11, v16;
	v8 =	vmov v14  }
0x3d: {  	s23 =	sadd.s32 $0x1, s23;
	v11 =	vld [tilespmem:s22+$0x30];
	s22 =	sadd.s32 $0x80, s22;
	vm0 =	vgt.f32 v12, v4;
	v10 =	vmov v15  }
0x3e: {  	_ =	sdelay $0x2  }
0x3f: {  	v5 =	vmax.f32 v5, v8  }
0x40: {  	v6 =	vmax.f32 v10, v6;
	v3 =	vmax.f32 v3, v7;
	v7 =	vmax.f32 v9, v11  }
0x41: {  	v5 =	vmax.f32 v5, v6;
	v3 =	vmax.f32 v3, v7  }
0x42: {  	v4 =	vsel vm0, v12, v4;
	v3 =	vmax.f32 v5, v3  }
0x43: {  	vm1 =	vgt.f32 v3, v4  }
0x44: {  	v3 =	vsel vm1, v3, v4  }
0x45: {  	(xrf0) =	vmax.scan.msk.f32 $0xffff, v3;
	_ =	sdelay $0x5  }
0x46: {  	v4, _, _ =	vpop (xrf0)  }
0x47: {  	v2 =	vsel vm0, s20, v2;
	v4 =	vbroadcast v4, $0xF  }
0x48: {  	v2 =	vsel vm1, s21, v2  }
0x49: {  	v2 =	vxor.u32 $0x80000000, v2;
	vm0 =	veq.f32 v3, v4  }
0x4a: {  	v2 =	vnsel vm0, $0xFFFFFFFF, v2  }
0x4b: {  	(xrf0) =	vmin.scan.msk.u32 $0xffff, v2;
	_ =	sdelay $0x5  }
0x4c: {  	v2, _, _ =	vpop (xrf0)  }
0x4d: {  	(v2sf) =	vpush v2, $0xF;
	_ =	sdelay $0xe  }
0x4e: {  	s28 =	spop (v2sf)  }
0x4f: {  	s29 =	sshll.u32 s28, $0x9  }
0x50: {  	s21 =	sshra.s32 s29, $0x2  }
0x51: {  	v2 =	vld [tilespmem:s21+$0x10];
	_ =	sdelay $0x2  }
0x52: {  	s20 =	sshll.u32 s28, $0x7;
	v3 =	vld [tilespmem:s21+$0x0]  }
0x53: {  	s22 =	sor.u32 $0x10, s20  }
0x54: {  	vm0 =	veq.f32 v2, v4;
	v2 =	vor.u32 s22, v1  }
0x55: {  	v5 =	vor.u32 s20, v1;
	v6 =	vld [tilespmem:s21+$0x20];
	v2 =	vnsel vm0, $0x7FFFFFFF, v2  }
0x56: {  	vm0 =	vlt.s32 v5, v2  }
0x57: {  	s30 =	sor.u32 $0x20, s20;
	vm1 =	veq.f32 v3, v4;
	v3 =	vsel vm0, v5, v2  }
0x58: {  	v5 =	vld [tilespmem:s21+$0x30];
	v2 =	vsel vm1, v3, v2;
	v3 =	vor.u32 s30, v1  }
0x59: {  	vm0 =	vlt.s32 v2, v3  }
0x5a: {  	s31 =	sor.u32 $0x30, s20;
	vm1 =	veq.f32 v6, v4;
	v3 =	vsel vm0, v2, v3  }
0x5b: {  	v6 =	vld [tilespmem:s21+$0x40];
	v2 =	vsel vm1, v3, v2;
	v3 =	vor.u32 s31, v1  }
0x5c: {  	vm0 =	vlt.s32 v2, v3  }
0x5d: {  	s23 =	sor.u32 $0x40, s20;
	vm1 =	veq.f32 v5, v4;
	v3 =	vsel vm0, v2, v3  }
0x5e: {  	v5 =	vld [tilespmem:s21+$0x50];
	v2 =	vsel vm1, v3, v2;
	v3 =	vor.u32 s23, v1  }
0x5f: {  	vm0 =	vlt.s32 v2, v3  }
0x60: {  	s24 =	sor.u32 $0x50, s20;
	vm1 =	veq.f32 v6, v4;
	v3 =	vsel vm0, v2, v3  }
0x61: {  	v6 =	vld [tilespmem:s21+$0x60];
	v2 =	vsel vm1, v3, v2;
	v3 =	vor.u32 s24, v1  }
0x62: {  	vm0 =	vlt.s32 v2, v3  }
0x63: {  	s25 =	sor.u32 $0x60, s20;
	vm1 =	veq.f32 v5, v4;
	v3 =	vsel vm0, v2, v3  }
0x64: {  	v5 =	vld [tilespmem:s21+$0x70];
	v2 =	vsel vm1, v3, v2;
	v3 =	vor.u32 s25, v1  }
0x65: {  	vm0 =	vlt.s32 v2, v3  }
0x66: {  	s20 =	sor.u32 $0x70, s20;
	vm1 =	veq.f32 v6, v4;
	v3 =	vsel vm0, v2, v3  }
0x67: {  	v2 =	vsel vm1, v3, v2;
	v3 =	vor.u32 s20, v1  }
0x68: {  	vm0 =	vlt.s32 v2, v3  }
0x69: {  	vm1 =	veq.f32 v5, v4;
	v3 =	vsel vm0, v2, v3  }
0x6a: {  	v2 =	vsel vm1, v3, v2  }
0x6b: {  	v2 =	vxor.u32 $0x80000000, v2  }
0x6c: {  	(xrf0) =	vmin.scan.msk.u32 $0xffff, v2;
	_ =	sdelay $0x5  }
0x6d: {  	v2, _, _ =	vpop (xrf0)  }
0x6e: {  	(v2sf) =	vpush v2, $0xF;
	_ =	sdelay $0xe  }
0x6f: {  	s26 =	spop (v2sf)  }
0x70: {  	s28 =	sxor.u32 $0x80000000, s26  }
0x71: {  	p1 =	sgt.s32 s26, $0xFFFFFFFF;
	s20 =	sand.u32 $0xF, s26;
	p0 =	slt.s32 s28, $0x1  }
0x72: {  	s29 =	sshra.s32 s28, $0x1F;
	p6 =	sne.s32 s20, $0x0;
	p0 =	por p1, p0  }
0x73: {  	s30 =	sshrl.u32 s29, $0x1C;
	p0 =	por !p6, !p0  }
0x74: {  	s21 =	simm.s32 $0x1;
	s20 =	sadd.s32 s30, s28;
	p0 =	por !p0, !p0  }
0x75: {  	s20 =	sshrl.u32 s20, $0x4;
	s21 =	simm.s32 @!p0 $0x0  }
0x76: {  	s20 =	ssub.s32 s20, s21  }
0x77: {  	s21 =	sshll.u32 s20, $0x4  }
0x78: {  	s20 =	ssub.s32 s28, s21  }
0x79: {  	v2 =	vmov s20  }
0x7a: {  	vm0 =	veq.s32 v2, v1  }
0x7b: {  	[tilespmem:$0x10000] =	vst v0;
	v2 =	vsel vm0, $0x3F800000, v0  }
0x7c: {  	[tilespmem:s21+$0x10000] =	vst v2  }
0x7d: {  	[hbm4b:s5+s12] =	stream.strided.scatter [tilespmem:s16], [sflag:$0x3], $0x8000, s13, s12, $0x38;
	[tilespmem:$0x18000] =	vst v63  }
0x7e: {  	s20 =	simm.s32 $0x0  }
0x7f: {  	[tilespmem:s20], [sflag:$0x1] =	stream.strided.gather [hbm4b:s6+s12], $0x8000, s13, s12, $0x38;
	[tilespmem:$0x18000] =	vst v63  }
0x80: {  	_ =	swait.ge [sflag:s17], $0x8000  }
0x81: {  	[sflag:s17] =	ssyncset.done $0x0  }
0x82: {  	s31 =	simm.s32 $0x8040;
	[sflag:s17] =	ssyncadd.s32 $0xFFFF8000  }
0x83: {  	v2 =	vld [tilespmem:s31+$0xFFFFFFC0]  }
0x84: {  	v3 =	vld [tilespmem:s31+$0xFFFFFFD0]  }
0x85: {  	v4 =	vld [tilespmem:s31+$0xFFFFFFE0]  }
0x86: {  	v7 =	vld [tilespmem:s31+$0xFFFFFFF0]  }
0x87: {  	v9 =	vld [tilespmem:s31+$0x0]  }
0x88: {  	v11 =	vld [tilespmem:s31+$0x10]  }
0x89: {  	v12 =	vld [tilespmem:s31+$0x20]  }
0x8a: {  	s23 =	simm.s32 $0x80C0;
	v13 =	vld [tilespmem:s31+$0x30]  }
0x8b: {  	v5 =	vld [tilespmem:s23+$0xFFFFFFC0]  }
0x8c: {  	v8 =	vld [tilespmem:s23+$0xFFFFFFD0]  }
0x8d: {  	v10 =	vld [tilespmem:s23+$0xFFFFFFE0]  }
0x8e: {  	v6 =	vld [tilespmem:s23+$0xFFFFFFF0];
	v2 =	vmax.f32 v2, v3  }
0x8f: {  	v3 =	vld [tilespmem:s23+$0x0];
	v4 =	vmax.f32 v4, v7;
	v9 =	vmax.f32 v9, v11;
	v11 =	vmax.f32 v12, v13  }
0x90: {  	v7 =	vld [tilespmem:s23+$0x10];
	v2 =	vmax.f32 v2, v4;
	v11 =	vmax.f32 v9, v11  }
0x91: {  	v4 =	vimm.f32 $-Inf;
	v9 =	vld [tilespmem:s23+$0x20];
	v12 =	vmax.f32 v2, v11  }
0x92: {  	s22 =	simm.s32 $0x1;
	s24 =	simm.s32 $0x2;
	v2 =	vimm.s32 $0x0;
	v11 =	vld [tilespmem:s23+$0x30];
	s23 =	simm.s32 $0x8140;
	vm0 =	vgt.f32 v12, v4  }
.LBB2_6:
0x93: {  	v13 =	vld [tilespmem:s23+$0xFFFFFFC0];
	p0 =	sne.s32 s24, $0xFF;
	v4 =	vsel vm0, v12, v4;
	v2 =	vsel vm0, s20, v2;
	v12 =	vmov v6;
	s20 =	smov.u32 s22;
	s22 =	smov.u32 s24  }
0x94: {  	v14 =	vld [tilespmem:s23+$0xFFFFFFD0]  }
0x95: {  	v15 =	vld [tilespmem:s23+$0xFFFFFFE0]  }
.Ltmp2:
0x96: {  	v16 =	vmax.f32 v5, v8;
	v6 =	vld [tilespmem:s23+$0xFFFFFFF0];
	(pc) =	sbr.rel @p0 .LBB2_6-.Ltmp2, $4  }
0x97: {  	v17 =	vmax.f32 v10, v12;
	v10 =	vmax.f32 v3, v7;
	v3 =	vld [tilespmem:s23+$0x0];
	v9 =	vmax.f32 v9, v11  }
0x98: {  	v11 =	vmax.f32 v16, v17;
	v7 =	vld [tilespmem:s23+$0x10];
	v16 =	vmax.f32 v10, v9;
	v5 =	vmov v13  }
0x99: {  	v9 =	vld [tilespmem:s23+$0x20];
	v12 =	vmax.f32 v11, v16;
	v8 =	vmov v14  }
0x9a: {  	s24 =	sadd.s32 $0x1, s24;
	v11 =	vld [tilespmem:s23+$0x30];
	s23 =	sadd.s32 $0x80, s23;
	vm0 =	vgt.f32 v12, v4;
	v10 =	vmov v15  }
0x9b: {  	_ =	sdelay $0x2  }
0x9c: {  	v5 =	vmax.f32 v5, v8  }
0x9d: {  	v6 =	vmax.f32 v10, v6;
	v3 =	vmax.f32 v3, v7;
	v7 =	vmax.f32 v9, v11  }
0x9e: {  	v5 =	vmax.f32 v5, v6;
	v3 =	vmax.f32 v3, v7  }
0x9f: {  	v4 =	vsel vm0, v12, v4;
	v3 =	vmax.f32 v5, v3  }
0xa0: {  	vm1 =	vgt.f32 v3, v4  }
0xa1: {  	v3 =	vsel vm1, v3, v4  }
0xa2: {  	(xrf0) =	vmax.scan.msk.f32 $0xffff, v3;
	_ =	sdelay $0x5  }
0xa3: {  	v4, _, _ =	vpop (xrf0)  }
0xa4: {  	v2 =	vsel vm0, s20, v2;
	v4 =	vbroadcast v4, $0xF  }
0xa5: {  	v2 =	vsel vm1, s22, v2  }
0xa6: {  	v2 =	vxor.u32 $0x80000000, v2;
	vm0 =	veq.f32 v3, v4  }
0xa7: {  	v2 =	vnsel vm0, $0xFFFFFFFF, v2  }
0xa8: {  	(xrf0) =	vmin.scan.msk.u32 $0xffff, v2;
	_ =	sdelay $0x5  }
0xa9: {  	v2, _, _ =	vpop (xrf0)  }
0xaa: {  	(v2sf) =	vpush v2, $0xF;
	_ =	sdelay $0xe  }
0xab: {  	s25 =	spop (v2sf)  }
0xac: {  	s26 =	sshll.u32 s25, $0x9  }
0xad: {  	s22 =	sshra.s32 s26, $0x2  }
0xae: {  	v2 =	vld [tilespmem:s22+$0x8010];
	_ =	sdelay $0x2  }
0xaf: {  	s20 =	sshll.u32 s25, $0x7;
	v3 =	vld [tilespmem:s22+$0x8000]  }
0xb0: {  	s23 =	sor.u32 $0x10, s20  }
0xb1: {  	vm0 =	veq.f32 v2, v4;
	v2 =	vor.u32 s23, v1  }
0xb2: {  	v5 =	vor.u32 s20, v1;
	v6 =	vld [tilespmem:s22+$0x8020];
	v2 =	vnsel vm0, $0x7FFFFFFF, v2  }
0xb3: {  	vm0 =	vlt.s32 v5, v2  }
0xb4: {  	s28 =	sor.u32 $0x20, s20;
	vm1 =	veq.f32 v3, v4;
	v3 =	vsel vm0, v5, v2  }
0xb5: {  	v5 =	vld [tilespmem:s22+$0x8030];
	v2 =	vsel vm1, v3, v2;
	v3 =	vor.u32 s28, v1  }
0xb6: {  	vm0 =	vlt.s32 v2, v3  }
0xb7: {  	s29 =	sor.u32 $0x30, s20;
	vm1 =	veq.f32 v6, v4;
	v3 =	vsel vm0, v2, v3  }
0xb8: {  	v6 =	vld [tilespmem:s22+$0x8040];
	v2 =	vsel vm1, v3, v2;
	v3 =	vor.u32 s29, v1  }
0xb9: {  	vm0 =	vlt.s32 v2, v3  }
0xba: {  	s30 =	sor.u32 $0x40, s20;
	vm1 =	veq.f32 v5, v4;
	v3 =	vsel vm0, v2, v3  }
0xbb: {  	v5 =	vld [tilespmem:s22+$0x8050];
	v2 =	vsel vm1, v3, v2;
	v3 =	vor.u32 s30, v1  }
0xbc: {  	vm0 =	vlt.s32 v2, v3  }
0xbd: {  	s31 =	sor.u32 $0x50, s20;
	vm1 =	veq.f32 v6, v4;
	v3 =	vsel vm0, v2, v3  }
0xbe: {  	v6 =	vld [tilespmem:s22+$0x8060];
	v2 =	vsel vm1, v3, v2;
	v3 =	vor.u32 s31, v1  }
0xbf: {  	vm0 =	vlt.s32 v2, v3  }
0xc0: {  	s24 =	sor.u32 $0x60, s20;
	vm1 =	veq.f32 v5, v4;
	v3 =	vsel vm0, v2, v3  }
0xc1: {  	v5 =	vld [tilespmem:s22+$0x8070];
	v2 =	vsel vm1, v3, v2;
	v3 =	vor.u32 s24, v1  }
0xc2: {  	vm0 =	vlt.s32 v2, v3  }
0xc3: {  	s20 =	sor.u32 $0x70, s20;
	vm1 =	veq.f32 v6, v4;
	v3 =	vsel vm0, v2, v3  }
0xc4: {  	v2 =	vsel vm1, v3, v2;
	v3 =	vor.u32 s20, v1  }
0xc5: {  	vm0 =	vlt.s32 v2, v3  }
0xc6: {  	vm1 =	veq.f32 v5, v4;
	v3 =	vsel vm0, v2, v3  }
0xc7: {  	v2 =	vsel vm1, v3, v2  }
0xc8: {  	v2 =	vxor.u32 $0x80000000, v2  }
0xc9: {  	(xrf0) =	vmin.scan.msk.u32 $0xffff, v2;
	_ =	sdelay $0x5  }
0xca: {  	v2, _, _ =	vpop (xrf0)  }
0xcb: {  	(v2sf) =	vpush v2, $0xF;
	_ =	sdelay $0xe  }
0xcc: {  	s25 =	spop (v2sf)  }
0xcd: {  	s26 =	sxor.u32 $0x80000000, s25  }
0xce: {  	p1 =	sgt.s32 s25, $0xFFFFFFFF;
	s20 =	sand.u32 $0xF, s25;
	p0 =	slt.s32 s26, $0x1  }
0xcf: {  	s28 =	sshra.s32 s26, $0x1F;
	p6 =	sne.s32 s20, $0x0;
	p0 =	por p1, p0  }
0xd0: {  	s29 =	sshrl.u32 s28, $0x1C;
	p0 =	por !p6, !p0  }
0xd1: {  	s23 =	simm.s32 $0x1;
	s20 =	sadd.s32 s29, s26;
	p0 =	por !p0, !p0  }
0xd2: {  	s20 =	sshrl.u32 s20, $0x4;
	s23 =	simm.s32 @!p0 $0x0  }
0xd3: {  	s20 =	ssub.s32 s20, s23  }
0xd4: {  	s20 =	sshll.u32 s20, $0x4  }
0xd5: {  	_ =	swait.ge [sflag:s18], $0x8000;
	s22 =	ssub.s32 s26, s20  }
0xd6: {  	[sflag:s18] =	ssyncset.done $0x0;
	v2 =	vmov s22  }
0xd7: {  	[sflag:s18] =	ssyncadd.s32 $0xFFFF8000;
	vm0 =	veq.s32 v2, v1  }
0xd8: {  	[tilespmem:s21+$0x10000] =	vst v0;
	v2 =	vsel vm0, $0x3F800000, v0  }
0xd9: {  	[tilespmem:s20+$0x10000] =	vst v2  }
0xda: {  	[hbm4b:s7+s12] =	stream.strided.scatter [tilespmem:s16], [sflag:$0x3], $0x8000, s13, s12, $0x38;
	[tilespmem:$0x18000] =	vst v63  }
0xdb: {  	_ = 	snop  }
0xdc: {  	[tilespmem:s14], [sflag:$0x2] =	stream.strided.gather [hbm4b:s8+s12], $0x8000, s13, s12, $0x38;
	[tilespmem:$0x18000] =	vst v63  }
0xdd: {  	_ =	swait.ge [sflag:s15], $0x8000  }
0xde: {  	[sflag:s15] =	ssyncset.done $0x0  }
0xdf: {  	s30 =	simm.s32 $0x40;
	[sflag:s15] =	ssyncadd.s32 $0xFFFF8000  }
0xe0: {  	v2 =	vld [tilespmem:s30+$0xFFFFFFC0]  }
0xe1: {  	v3 =	vld [tilespmem:s30+$0xFFFFFFD0]  }
0xe2: {  	v4 =	vld [tilespmem:s30+$0xFFFFFFE0]  }
0xe3: {  	v7 =	vld [tilespmem:s30+$0xFFFFFFF0]  }
0xe4: {  	v9 =	vld [tilespmem:s30+$0x0]  }
0xe5: {  	v11 =	vld [tilespmem:s30+$0x10]  }
0xe6: {  	v12 =	vld [tilespmem:s30+$0x20]  }
0xe7: {  	s31 =	simm.s32 $0xC0;
	v13 =	vld [tilespmem:s30+$0x30]  }
0xe8: {  	v5 =	vld [tilespmem:s31+$0xFFFFFFC0]  }
0xe9: {  	v8 =	vld [tilespmem:s31+$0xFFFFFFD0]  }
0xea: {  	v10 =	vld [tilespmem:s31+$0xFFFFFFE0]  }
0xeb: {  	v6 =	vld [tilespmem:s31+$0xFFFFFFF0];
	v2 =	vmax.f32 v2, v3  }
0xec: {  	v3 =	vld [tilespmem:s31+$0x0];
	v4 =	vmax.f32 v4, v7;
	v9 =	vmax.f32 v9, v11;
	v11 =	vmax.f32 v12, v13  }
0xed: {  	v7 =	vld [tilespmem:s31+$0x10];
	v2 =	vmax.f32 v2, v4;
	v11 =	vmax.f32 v9, v11  }
0xee: {  	s24 =	simm.s32 $0x2;
	v4 =	vimm.f32 $-Inf;
	v9 =	vld [tilespmem:s31+$0x20];
	v12 =	vmax.f32 v2, v11  }
0xef: {  	s21 =	simm.s32 $0x0;
	s23 =	simm.s32 $0x140;
	s22 =	simm.s32 $0x1;
	v2 =	vimm.s32 $0x0;
	v11 =	vld [tilespmem:s31+$0x30];
	vm0 =	vgt.f32 v12, v4  }
.LBB2_8:
0xf0: {  	v13 =	vld [tilespmem:s23+$0xFFFFFFC0];
	p0 =	sne.s32 s24, $0xFF;
	v4 =	vsel vm0, v12, v4;
	v2 =	vsel vm0, s21, v2;
	v12 =	vmov v6;
	s21 =	smov.u32 s22;
	s22 =	smov.u32 s24  }
0xf1: {  	v14 =	vld [tilespmem:s23+$0xFFFFFFD0]  }
0xf2: {  	v15 =	vld [tilespmem:s23+$0xFFFFFFE0]  }
.Ltmp3:
0xf3: {  	v16 =	vmax.f32 v5, v8;
	v6 =	vld [tilespmem:s23+$0xFFFFFFF0];
	(pc) =	sbr.rel @p0 .LBB2_8-.Ltmp3, $4  }
0xf4: {  	v17 =	vmax.f32 v10, v12;
	v10 =	vmax.f32 v3, v7;
	v3 =	vld [tilespmem:s23+$0x0];
	v9 =	vmax.f32 v9, v11  }
0xf5: {  	v11 =	vmax.f32 v16, v17;
	v7 =	vld [tilespmem:s23+$0x10];
	v16 =	vmax.f32 v10, v9;
	v5 =	vmov v13  }
0xf6: {  	v9 =	vld [tilespmem:s23+$0x20];
	v12 =	vmax.f32 v11, v16;
	v8 =	vmov v14  }
0xf7: {  	s24 =	sadd.s32 $0x1, s24;
	v11 =	vld [tilespmem:s23+$0x30];
	s23 =	sadd.s32 $0x80, s23;
	vm0 =	vgt.f32 v12, v4;
	v10 =	vmov v15  }
0xf8: {  	_ =	sdelay $0x2  }
0xf9: {  	v5 =	vmax.f32 v5, v8  }
0xfa: {  	v6 =	vmax.f32 v10, v6;
	v3 =	vmax.f32 v3, v7;
	v7 =	vmax.f32 v9, v11  }
0xfb: {  	v5 =	vmax.f32 v5, v6;
	v3 =	vmax.f32 v3, v7  }
0xfc: {  	v4 =	vsel vm0, v12, v4;
	v3 =	vmax.f32 v5, v3  }
0xfd: {  	vm1 =	vgt.f32 v3, v4  }
0xfe: {  	v3 =	vsel vm1, v3, v4  }
0xff: {  	(xrf0) =	vmax.scan.msk.f32 $0xffff, v3;
	_ =	sdelay $0x5  }
0x100: {  	v4, _, _ =	vpop (xrf0)  }
0x101: {  	v2 =	vsel vm0, s21, v2;
	v4 =	vbroadcast v4, $0xF  }
0x102: {  	v2 =	vsel vm1, s22, v2  }
0x103: {  	v2 =	vxor.u32 $0x80000000, v2;
	vm0 =	veq.f32 v3, v4  }
0x104: {  	v2 =	vnsel vm0, $0xFFFFFFFF, v2  }
0x105: {  	(xrf0) =	vmin.scan.msk.u32 $0xffff, v2;
	_ =	sdelay $0x5  }
0x106: {  	v2, _, _ =	vpop (xrf0)  }
0x107: {  	(v2sf) =	vpush v2, $0xF;
	_ =	sdelay $0xe  }
0x108: {  	s25 =	spop (v2sf)  }
0x109: {  	s26 =	sshll.u32 s25, $0x9  }
0x10a: {  	s22 =	sshra.s32 s26, $0x2  }
0x10b: {  	v2 =	vld [tilespmem:s22+$0x10];
	_ =	sdelay $0x2  }
0x10c: {  	s21 =	sshll.u32 s25, $0x7;
	v3 =	vld [tilespmem:s22+$0x0]  }
0x10d: {  	s23 =	sor.u32 $0x10, s21  }
0x10e: {  	vm0 =	veq.f32 v2, v4;
	v2 =	vor.u32 s23, v1  }
0x10f: {  	v5 =	vor.u32 s21, v1;
	v6 =	vld [tilespmem:s22+$0x20];
	v2 =	vnsel vm0, $0x7FFFFFFF, v2  }
0x110: {  	vm0 =	vlt.s32 v5, v2  }
0x111: {  	s28 =	sor.u32 $0x20, s21;
	vm1 =	veq.f32 v3, v4;
	v3 =	vsel vm0, v5, v2  }
0x112: {  	v5 =	vld [tilespmem:s22+$0x30];
	v2 =	vsel vm1, v3, v2;
	v3 =	vor.u32 s28, v1  }
0x113: {  	vm0 =	vlt.s32 v2, v3  }
0x114: {  	s29 =	sor.u32 $0x30, s21;
	vm1 =	veq.f32 v6, v4;
	v3 =	vsel vm0, v2, v3  }
0x115: {  	v6 =	vld [tilespmem:s22+$0x40];
	v2 =	vsel vm1, v3, v2;
	v3 =	vor.u32 s29, v1  }
0x116: {  	vm0 =	vlt.s32 v2, v3  }
0x117: {  	s30 =	sor.u32 $0x40, s21;
	vm1 =	veq.f32 v5, v4;
	v3 =	vsel vm0, v2, v3  }
0x118: {  	v5 =	vld [tilespmem:s22+$0x50];
	v2 =	vsel vm1, v3, v2;
	v3 =	vor.u32 s30, v1  }
0x119: {  	vm0 =	vlt.s32 v2, v3  }
0x11a: {  	s31 =	sor.u32 $0x50, s21;
	vm1 =	veq.f32 v6, v4;
	v3 =	vsel vm0, v2, v3  }
0x11b: {  	v6 =	vld [tilespmem:s22+$0x60];
	v2 =	vsel vm1, v3, v2;
	v3 =	vor.u32 s31, v1  }
0x11c: {  	vm0 =	vlt.s32 v2, v3  }
0x11d: {  	s24 =	sor.u32 $0x60, s21;
	vm1 =	veq.f32 v5, v4;
	v3 =	vsel vm0, v2, v3  }
0x11e: {  	v5 =	vld [tilespmem:s22+$0x70];
	v2 =	vsel vm1, v3, v2;
	v3 =	vor.u32 s24, v1  }
0x11f: {  	vm0 =	vlt.s32 v2, v3  }
0x120: {  	s21 =	sor.u32 $0x70, s21;
	vm1 =	veq.f32 v6, v4;
	v3 =	vsel vm0, v2, v3  }
0x121: {  	v2 =	vsel vm1, v3, v2;
	v3 =	vor.u32 s21, v1  }
0x122: {  	vm0 =	vlt.s32 v2, v3  }
0x123: {  	vm1 =	veq.f32 v5, v4;
	v3 =	vsel vm0, v2, v3  }
0x124: {  	v2 =	vsel vm1, v3, v2  }
0x125: {  	v2 =	vxor.u32 $0x80000000, v2  }
0x126: {  	(xrf0) =	vmin.scan.msk.u32 $0xffff, v2;
	_ =	sdelay $0x5  }
0x127: {  	v2, _, _ =	vpop (xrf0)  }
0x128: {  	(v2sf) =	vpush v2, $0xF;
	_ =	sdelay $0xe  }
0x129: {  	s25 =	spop (v2sf)  }
0x12a: {  	s26 =	sxor.u32 $0x80000000, s25  }
0x12b: {  	p1 =	sgt.s32 s25, $0xFFFFFFFF;
	s21 =	sand.u32 $0xF, s25;
	p0 =	slt.s32 s26, $0x1  }
0x12c: {  	s28 =	sshra.s32 s26, $0x1F;
	p6 =	sne.s32 s21, $0x0;
	p0 =	por p1, p0  }
0x12d: {  	s29 =	sshrl.u32 s28, $0x1C;
	p0 =	por !p6, !p0  }
0x12e: {  	s23 =	simm.s32 $0x1;
	s21 =	sadd.s32 s29, s26;
	p0 =	por !p0, !p0  }
0x12f: {  	s21 =	sshrl.u32 s21, $0x4;
	s23 =	simm.s32 @!p0 $0x0  }
0x130: {  	s21 =	ssub.s32 s21, s23  }
0x131: {  	s21 =	sshll.u32 s21, $0x4  }
0x132: {  	_ =	swait.ge [sflag:s18], $0x8000;
	s22 =	ssub.s32 s26, s21  }
0x133: {  	[sflag:s18] =	ssyncset.done $0x0;
	v2 =	vmov s22  }
0x134: {  	[sflag:s18] =	ssyncadd.s32 $0xFFFF8000;
	vm0 =	veq.s32 v2, v1  }
0x135: {  	[tilespmem:s20+$0x10000] =	vst v0;
	v2 =	vsel vm0, $0x3F800000, v0  }
0x136: {  	[tilespmem:s21+$0x10000] =	vst v2  }
0x137: {  	[hbm4b:s9+s12] =	stream.strided.scatter [tilespmem:s16], [sflag:$0x3], $0x8000, s13, s12, $0x38;
	[tilespmem:$0x18000] =	vst v63  }
0x138: {  	_ =	swait.ge [sflag:s17], $0x8000  }
0x139: {  	[sflag:s17] =	ssyncset.done $0x0  }
0x13a: {  	s30 =	simm.s32 $0x8040;
	[sflag:s17] =	ssyncadd.s32 $0xFFFF8000  }
0x13b: {  	v2 =	vld [tilespmem:s30+$0xFFFFFFC0]  }
0x13c: {  	v3 =	vld [tilespmem:s30+$0xFFFFFFD0]  }
0x13d: {  	v4 =	vld [tilespmem:s30+$0xFFFFFFE0]  }
0x13e: {  	v7 =	vld [tilespmem:s30+$0xFFFFFFF0]  }
0x13f: {  	v9 =	vld [tilespmem:s30+$0x0]  }
0x140: {  	v11 =	vld [tilespmem:s30+$0x10]  }
0x141: {  	v12 =	vld [tilespmem:s30+$0x20]  }
0x142: {  	s31 =	simm.s32 $0x80C0;
	v13 =	vld [tilespmem:s30+$0x30]  }
0x143: {  	v5 =	vld [tilespmem:s31+$0xFFFFFFC0]  }
0x144: {  	v8 =	vld [tilespmem:s31+$0xFFFFFFD0]  }
0x145: {  	v10 =	vld [tilespmem:s31+$0xFFFFFFE0]  }
0x146: {  	v6 =	vld [tilespmem:s31+$0xFFFFFFF0];
	v2 =	vmax.f32 v2, v3  }
0x147: {  	v3 =	vld [tilespmem:s31+$0x0];
	v4 =	vmax.f32 v4, v7;
	v9 =	vmax.f32 v9, v11;
	v11 =	vmax.f32 v12, v13  }
0x148: {  	v7 =	vld [tilespmem:s31+$0x10];
	v2 =	vmax.f32 v2, v4;
	v11 =	vmax.f32 v9, v11  }
0x149: {  	s24 =	simm.s32 $0x2;
	v4 =	vimm.f32 $-Inf;
	v9 =	vld [tilespmem:s31+$0x20];
	v12 =	vmax.f32 v2, v11  }
0x14a: {  	s20 =	simm.s32 $0x0;
	s23 =	simm.s32 $0x8140;
	s22 =	simm.s32 $0x1;
	v2 =	vimm.s32 $0x0;
	v11 =	vld [tilespmem:s31+$0x30];
	vm0 =	vgt.f32 v12, v4  }
.LBB2_10:
0x14b: {  	v13 =	vld [tilespmem:s23+$0xFFFFFFC0];
	p0 =	sne.s32 s24, $0xFF;
	v4 =	vsel vm0, v12, v4;
	v2 =	vsel vm0, s20, v2;
	v12 =	vmov v6;
	s20 =	smov.u32 s22;
	s22 =	smov.u32 s24  }
0x14c: {  	v14 =	vld [tilespmem:s23+$0xFFFFFFD0]  }
0x14d: {  	v15 =	vld [tilespmem:s23+$0xFFFFFFE0]  }
.Ltmp4:
0x14e: {  	v16 =	vmax.f32 v5, v8;
	v6 =	vld [tilespmem:s23+$0xFFFFFFF0];
	(pc) =	sbr.rel @p0 .LBB2_10-.Ltmp4, $4  }
0x14f: {  	v17 =	vmax.f32 v10, v12;
	v10 =	vmax.f32 v3, v7;
	v3 =	vld [tilespmem:s23+$0x0];
	v9 =	vmax.f32 v9, v11  }
0x150: {  	v11 =	vmax.f32 v16, v17;
	v7 =	vld [tilespmem:s23+$0x10];
	v16 =	vmax.f32 v10, v9;
	v5 =	vmov v13  }
0x151: {  	v9 =	vld [tilespmem:s23+$0x20];
	v12 =	vmax.f32 v11, v16;
	v8 =	vmov v14  }
0x152: {  	s24 =	sadd.s32 $0x1, s24;
	v11 =	vld [tilespmem:s23+$0x30];
	s23 =	sadd.s32 $0x80, s23;
	vm0 =	vgt.f32 v12, v4;
	v10 =	vmov v15  }
0x153: {  	_ =	sdelay $0x2  }
0x154: {  	v5 =	vmax.f32 v5, v8  }
0x155: {  	v6 =	vmax.f32 v10, v6;
	v3 =	vmax.f32 v3, v7;
	v55 =	vmax.f32 v9, v11  }
0x156: {  	v5 =	vmax.f32 v5, v6;
	v3 =	vmax.f32 v3, v55  }
0x157: {  	v4 =	vsel vm0, v12, v4;
	v3 =	vmax.f32 v5, v3  }
0x158: {  	vm1 =	vgt.f32 v3, v4  }
0x159: {  	v3 =	vsel vm1, v3, v4  }
0x15a: {  	(xrf0) =	vmax.scan.msk.f32 $0xffff, v3;
	_ =	sdelay $0x5  }
0x15b: {  	v56, _, _ =	vpop (xrf0)  }
0x15c: {  	v2 =	vsel vm0, s20, v2;
	v4 =	vbroadcast v56, $0xF  }
0x15d: {  	v2 =	vsel vm1, s22, v2  }
0x15e: {  	v2 =	vxor.u32 $0x80000000, v2;
	vm12 =	veq.f32 v3, v4  }
0x15f: {  	v2 =	vnsel vm12, $0xFFFFFFFF, v2  }
0x160: {  	(xrf0) =	vmin.scan.msk.u32 $0xffff, v2;
	_ =	sdelay $0x5  }
0x161: {  	v2, _, _ =	vpop (xrf0)  }
0x162: {  	(v2sf) =	vpush v2, $0xF;
	_ =	sdelay $0xe  }
0x163: {  	s28 =	spop (v2sf)  }
0x164: {  	s29 =	sshll.u32 s28, $0x9  }
0x165: {  	s22 =	sshra.s32 s29, $0x2  }
0x166: {  	v2 =	vld [tilespmem:s22+$0x8010];
	_ =	sdelay $0x2  }
0x167: {  	s20 =	sshll.u32 s28, $0x7;
	v3 =	vld [tilespmem:s22+$0x8000]  }
0x168: {  	s23 =	sor.u32 $0x10, s20  }
0x169: {  	vm13 =	veq.f32 v2, v4;
	v2 =	vor.u32 s23, v1  }
0x16a: {  	v57 =	vor.u32 s20, v1;
	v58 =	vld [tilespmem:s22+$0x8020];
	v2 =	vnsel vm13, $0x7FFFFFFF, v2  }
0x16b: {  	vm0 =	vlt.s32 v57, v2  }
0x16c: {  	s30 =	sor.u32 $0x20, s20;
	vm14 =	veq.f32 v3, v4;
	v3 =	vsel vm0, v57, v2  }
0x16d: {  	v59 =	vld [tilespmem:s22+$0x8030];
	v2 =	vsel vm14, v3, v2;
	v3 =	vor.u32 s30, v1  }
0x16e: {  	vm15 =	vlt.s32 v2, v3  }
0x16f: {  	s31 =	sor.u32 $0x30, s20;
	vm4 =	veq.f32 v58, v4;
	v3 =	vsel vm15, v2, v3  }
0x170: {  	v60 =	vld [tilespmem:s22+$0x8040];
	v2 =	vsel vm4, v3, v2;
	v3 =	vor.u32 s31, v1  }
0x171: {  	vm5 =	vlt.s32 v2, v3  }
0x172: {  	s24 =	sor.u32 $0x40, s20;
	vm6 =	veq.f32 v59, v4;
	v3 =	vsel vm5, v2, v3  }
0x173: {  	v61 =	vld [tilespmem:s22+$0x8050];
	v2 =	vsel vm6, v3, v2;
	v3 =	vor.u32 s24, v1  }
0x174: {  	vm7 =	vlt.s32 v2, v3  }
0x175: {  	s25 =	sor.u32 $0x50, s20;
	vm8 =	veq.f32 v60, v4;
	v3 =	vsel vm7, v2, v3  }
0x176: {  	v62 =	vld [tilespmem:s22+$0x8060];
	v2 =	vsel vm8, v3, v2;
	v3 =	vor.u32 s25, v1  }
0x177: {  	vm9 =	vlt.s32 v2, v3  }
0x178: {  	s26 =	sor.u32 $0x60, s20;
	vm10 =	veq.f32 v61, v4;
	v3 =	vsel vm9, v2, v3  }
0x179: {  	v63 =	vld [tilespmem:s22+$0x8070];
	v2 =	vsel vm10, v3, v2;
	v3 =	vor.u32 s26, v1  }
0x17a: {  	vm11 =	vlt.s32 v2, v3  }
0x17b: {  	s20 =	sor.u32 $0x70, s20;
	vm12 =	veq.f32 v62, v4;
	v3 =	vsel vm11, v2, v3  }
0x17c: {  	v2 =	vsel vm12, v3, v2;
	v3 =	vor.u32 s20, v1  }
0x17d: {  	vm13 =	vlt.s32 v2, v3  }
0x17e: {  	vm14 =	veq.f32 v63, v4;
	v3 =	vsel vm13, v2, v3  }
0x17f: {  	v2 =	vsel vm14, v3, v2  }
0x180: {  	v2 =	vxor.u32 $0x80000000, v2  }
0x181: {  	(xrf0) =	vmin.scan.msk.u32 $0xffff, v2;
	_ =	sdelay $0x5  }
0x182: {  	v2, _, _ =	vpop (xrf0)  }
0x183: {  	(v2sf) =	vpush v2, $0xF;
	_ =	sdelay $0xe  }
0x184: {  	s28 =	spop (v2sf)  }
0x185: {  	s29 =	sxor.u32 $0x80000000, s28  }
0x186: {  	p1 =	sgt.s32 s28, $0xFFFFFFFF;
	s20 =	sand.u32 $0xF, s28;
	p0 =	slt.s32 s29, $0x1  }
0x187: {  	s30 =	sshra.s32 s29, $0x1F;
	p6 =	sne.s32 s20, $0x0;
	p0 =	por p1, p0  }
0x188: {  	s31 =	sshrl.u32 s30, $0x1C;
	p0 =	por !p6, !p0  }
0x189: {  	s23 =	simm.s32 $0x1;
	s20 =	sadd.s32 s31, s29;
	p0 =	por !p0, !p0  }
0x18a: {  	s20 =	sshrl.u32 s20, $0x4;
	s23 =	simm.s32 @!p0 $0x0  }
0x18b: {  	s20 =	ssub.s32 s20, s23  }
0x18c: {  	s20 =	sshll.u32 s20, $0x4  }
0x18d: {  	_ =	swait.ge [sflag:s18], $0x8000;
	s22 =	ssub.s32 s29, s20  }
0x18e: {  	[sflag:s18] =	ssyncset.done $0x0;
	v2 =	vmov s22  }
0x18f: {  	s19 =	sadd.s32 $0x1, s19;
	[sflag:s18] =	ssyncadd.s32 $0xFFFF8000;
	vm15 =	veq.s32 v2, v1  }
0x190: {  	[tilespmem:s21+$0x10000] =	vst v0;
	p0 =	sne.s32 s19, s11;
	v2 =	vsel vm15, $0x3F800000, v0  }
.Ltmp5:
0x191: {  	[tilespmem:s20+$0x10000] =	vst v2;
	(pc) =	sbr.rel @p0 .LBB2_1-.Ltmp5, $4  }
0x192: {  	[hbm4b:s10+s12] =	stream.strided.scatter [tilespmem:s16], [sflag:$0x3], $0x8000, s13, s12, $0x38;
	[tilespmem:$0x18000] =	vst v63  }
0x193: {  	_ =	swait.ge [sflag:s18], $0x8000  }
0x194: {  	[sflag:s18] =	ssyncset.done $0x0  }
0x195: {  	[sflag:s18] =	ssyncadd.s32 $0xFFFF8000  }
0x196: {  	_ =	sfence.sel $0x180000  }
0x197: {  	[bflag:$0x0] =	sbarrier.arrive $0xFFFF  }
0x198: {  	p0 =	sne.s32 s1, $0x0;
	_ =	strace $0x90000047  }
0x199: {  	s0 =	sadd.s32 @!p0 $0x100000, s0;
	[bflag:$0x2] =	sbarrier.arrive $0xFFFF  }
0x19a: {  	[sflag:s0] =	ssyncadd.tile.s32 @!p0 $0x1;
	_ =	shalt  }
.Lfunc_end2:
_tile_overlayer_lowered:
.L_overlay_start_2:
0x19b: {  	(tag) =	ssettag $0x2  }
0x19c: {  	s0 =	rddreg [dreg:$0x0];
	s2 =	stileid.u32  }
0x19d: {  	s1 =	rddreg [dreg:$0x1];
	p0 =	sne.s32 s2, $0x0  }
0x19e: {  	s3 =	rddreg [dreg:$0x2];
	[bflag:$0x3] =	sbarrier.arrive $0xFFFF;
	s2 =	simm.s32 @!p0 $0x1C04  }
0x19f: {  	[timem:s3], [sflag:s2] =	dma.local @!p0 [hbm:s0], s1  }
0x1a0: {  	s0 =	simm.s32 @!p0 $0x4  }
0x1a1: {  	_ =	swait.ge @!p0 [sflag:s0], s1  }
0x1a2: {  	s1 =	ssub.s32 @!p0 $0x0, s1;
	[sflag:s0] =	ssyncset.done @!p0 $0x0  }
0x1a3: {  	[sflag:s0] =	ssyncadd.s32 @!p0 s1  }
0x1a4: {  	[bflag:$0x3] =	sbarrier.arrive $0xFFFF  }
0x1a5: {  	_ =	shalt  }

</sc_bundles>
